<compile_context>
chip_gen: v7x
topology: tpu7x:2x2x1
jax: 0.10.2.dev20260603
libtpu: 0.0.44.dev20260713+nightly
codegen_flags: <defaults>
</compile_context>

<pallas_src>
import functools

import jax
import jax.numpy as jnp
from jax import lax
from jax.experimental import pallas as pl
from jax.experimental.pallas import tpu as pltpu
from jax.experimental.pallas import tpu_sc as plsc

NC = 2
NS = 16
NW = NC * NS
L = 16
CHUNK = 128
G = 8
NBUF = 2
F0 = 0.5

_mesh = functools.partial(
    plsc.VectorSubcoreMesh,
    core_axis_name="c", subcore_axis_name="s",
    num_cores=NC, num_subcores=NS,
)


def _deg_kernel(n_pad, n0, n1, interpret=False):

    @functools.partial(
        pl.kernel,
        out_type=jax.ShapeDtypeStruct((NC, n_pad), jnp.float32),
        mesh=_mesh(),
        scratch_types=[
            pltpu.VMEM_SHARED((n_pad,), jnp.float32),
            pltpu.VMEM((max(n0, n1), CHUNK), jnp.int32),
            pltpu.VMEM((CHUNK,), jnp.float32),
            pltpu.SemaphoreType.DMA,
        ],
        interpret=interpret,
    )
    def deg_kernel(dst3_hbm, zeros1_hbm, deg_out, deg_sh, didx, ones_v, ssem):
        c = lax.axis_index("c")
        s = lax.axis_index("s")
        for i in range(CHUNK // L):
            ones_v[pl.ds(i * L, L)] = jnp.full((L,), 1.0, jnp.float32)

        @pl.when(s == 0)
        def _():
            pltpu.sync_copy(zeros1_hbm, deg_sh)

        tile = c * NS + s
        nch = lax.select(c == 0, n0, n1)
        pltpu.sync_copy(dst3_hbm.at[tile], didx)
        plsc.subcore_barrier()

        def body(j, carry):
            pltpu.async_copy(ones_v, deg_sh.at[didx.at[j]], ssem, add=True)
            return carry

        lax.fori_loop(0, nch, body, 0)

        def drain(j, carry):
            pltpu.make_async_copy(ones_v, deg_sh.at[didx.at[0]], ssem).wait()
            return carry

        lax.fori_loop(0, nch, drain, 0)
        plsc.subcore_barrier()

        @pl.when(s == 0)
        def _():
            pltpu.sync_copy(deg_sh, deg_out.at[c])

    return deg_kernel


def _agg_kernel(n_pad, nfeat, n0, n1, interpret=False):
    rpt = n_pad // NS

    @functools.partial(
        pl.kernel,
        out_type=jax.ShapeDtypeStruct((NC, n_pad, nfeat), jnp.float32),
        mesh=_mesh(),
        scratch_types=[
            pltpu.VMEM_SHARED((n_pad, nfeat), jnp.float32),
            pltpu.VMEM((G, CHUNK), jnp.int32),
            pltpu.VMEM((G, CHUNK), jnp.int32),
            pltpu.VMEM((NBUF, CHUNK, nfeat), jnp.float32),
            pltpu.SemaphoreType.DMA,
            pltpu.SemaphoreType.DMA,
            pltpu.SemaphoreType.DMA,
            pltpu.SemaphoreType.DMA,
        ],
        interpret=interpret,
    )
    def agg_kernel(src3_hbm, dst3_hbm, g_hbm, zeros2_hbm, out_hbm,
                   acc_sh, sidx, didx, rows, sem0, sem1, sem2, sem3):
        c = lax.axis_index("c")
        s = lax.axis_index("s")
        sems = (sem0, sem1, sem2, sem3)

        @pl.when(c == 0)
        def _():
            pltpu.sync_copy(g_hbm.at[pl.ds(s * rpt, rpt)],
                            acc_sh.at[pl.ds(s * rpt, rpt)])

        @pl.when(c == 1)
        def _():
            pltpu.sync_copy(zeros2_hbm.at[pl.ds(s * rpt, rpt)],
                            acc_sh.at[pl.ds(s * rpt, rpt)])

        tile = c * NS + s
        plsc.subcore_barrier()

        def gather(jj, b):
            pltpu.async_copy(g_hbm.at[sidx.at[jj]], rows.at[b], sems[b])

        def group(k, carry):
            pltpu.sync_copy(src3_hbm.at[tile, pl.ds(k * G, G)], sidx)
            pltpu.sync_copy(dst3_hbm.at[tile, pl.ds(k * G, G)], didx)
            for b in range(NBUF - 1):
                gather(b, b)
            for jj in range(G):
                b = jj % NBUF
                if jj + NBUF - 1 < G:
                    gather(jj + NBUF - 1, (jj + NBUF - 1) % NBUF)
                pltpu.make_async_copy(g_hbm.at[sidx.at[jj]], rows.at[b],
                                      sems[b]).wait()
                pltpu.sync_copy(rows.at[b], acc_sh.at[didx.at[jj]], add=True)
            return carry

        ngrp = lax.select(c == 0, n0 // G, n1 // G)
        lax.fori_loop(0, ngrp, group, 0)
        plsc.subcore_barrier()
        pltpu.sync_copy(acc_sh.at[pl.ds(s * rpt, rpt)],
                        out_hbm.at[c, pl.ds(s * rpt, rpt)])

    return agg_kernel


def _dense1(xp, w, deg3, interpret=False):
    n_pad, nfeat = xp.shape
    nhid = w.shape[1]
    nrow = n_pad // 128

    def body(x_ref, w_ref, deg_ref, g_ref, d_ref):
        h = jnp.dot(x_ref[...], w_ref[...], preferred_element_type=jnp.float32)
        d2 = lax.rsqrt(deg_ref[0] + deg_ref[1] + 1.0)
        d_ref[...] = d2
        g3 = h.reshape(nrow, 128, nhid) * d2[:, :, None]
        g_ref[...] = g3.reshape(n_pad, nhid)

    return pl.pallas_call(
        body,
        out_shape=(
            jax.ShapeDtypeStruct((n_pad, nhid), jnp.float32),
            jax.ShapeDtypeStruct((nrow, 128), jnp.float32),
        ),
        interpret=interpret,
    )(xp, w, deg3)


def _dense2(acc3, d2, b, interpret=False):
    n_pad, nhid = acc3.shape[1], acc3.shape[2]
    nrow = n_pad // 128

    def body(acc_ref, d_ref, b_ref, o_ref):
        t = (acc_ref[0] + acc_ref[1]).reshape(nrow, 128, nhid)
        o = t * d_ref[...][:, :, None] + b_ref[...]
        o_ref[...] = o.reshape(n_pad, nhid)

    return pl.pallas_call(
        body,
        out_shape=jax.ShapeDtypeStruct((n_pad, nhid), jnp.float32),
        interpret=interpret,
    )(acc3, d2, b)


def _gcn(x, edge_index, w, b, interpret=False):
    n, nfeat = x.shape
    nhid = w.shape[1]
    e = edge_index.shape[1]

    n_pad = ((n + 1 + 127) // 128) * 128
    total = -(-e // (NS * CHUNK))
    total = -(-total // (2 * G)) * (2 * G)
    n0 = max(G, int(round(total * F0 / G)) * G)
    n1 = total - n0
    nmax = max(n0, n1)
    ep = NS * CHUNK * total

    sflat = jnp.concatenate(
        [edge_index[0], jnp.zeros((ep - e,), edge_index.dtype)])
    pad_dst = (n + jnp.arange(ep - e, dtype=edge_index.dtype)
               % jnp.int32(n_pad - n))
    dflat = jnp.concatenate([edge_index[1], pad_dst])

    def part(flat):
        a = flat[:NS * n0 * CHUNK].reshape(NS, n0, CHUNK)
        bb = flat[NS * n0 * CHUNK:].reshape(NS, n1, CHUNK)
        a = jnp.pad(a, ((0, 0), (0, nmax - n0), (0, 0)))
        bb = jnp.pad(bb, ((0, 0), (0, nmax - n1), (0, 0)))
        return jnp.concatenate([a, bb], axis=0)

    src3 = part(sflat)
    dst3 = part(dflat)
    xp = jnp.pad(x, ((0, n_pad - n), (0, 0)))
    zeros1 = jnp.zeros((n_pad,), jnp.float32)
    zeros2 = jnp.zeros((n_pad, nhid), jnp.float32)

    deg2 = _deg_kernel(n_pad, n0, n1, interpret)(dst3, zeros1)
    g_pad, d2 = _dense1(xp, w, deg2.reshape(NC, n_pad // 128, 128), interpret)
    acc2 = _agg_kernel(n_pad, nhid, n0, n1, interpret)(src3, dst3, g_pad,
                                                       zeros2)
    out_pad = _dense2(acc2, d2, b, interpret)
    return out_pad[:n]


def kernel(x, edge_index, W, b):
    return _gcn(x, edge_index, W, b)

# --- scband reference (transcript-rebuilt; emitter-appended) ---
"""Pipeline reference for scband-gcn-28226525069446 (READ-ONLY COPY).

The authoritative reference and input builder live on the scoring server;
editing this copy changes nothing except your own understanding.
"""

import jax, jax.numpy as jnp
import numpy as np

N = 10000
E = 320000
NFEAT = 128
NHID = 128


def setup_inputs(seed: int = 0) -> dict:
    key = jax.random.key(seed)
    k1, k2, k3 = jax.random.split(key, 3)
    x = jax.random.normal(k1, (N, NFEAT), dtype=jnp.float32)
    edge_index = jax.random.randint(k2, (2, E), 0, N, dtype=jnp.int32)
    # GCNConv internal linear weight (glorot / xavier uniform), bias zeros
    limit = float(np.sqrt(6.0 / (NFEAT + NHID)))
    W = jax.random.uniform(k3, (NFEAT, NHID), dtype=jnp.float32, minval=-limit, maxval=limit)
    b = jnp.zeros((NHID,), dtype=jnp.float32)
    return {"x": x, "edge_index": edge_index, "W": W, "b": b}


def reference(x, edge_index, W, b):
    # GCNConv: add self-loops, symmetric normalization, linear transform, aggregate
    n = x.shape[0]
    loop = jnp.arange(n, dtype=edge_index.dtype)
    src = jnp.concatenate([edge_index[0], loop])
    dst = jnp.concatenate([edge_index[1], loop])
    # linear transform first (as in PyG GCNConv)
    h = x @ W
    # degree computed on destination (col) with unit edge weights
    ones = jnp.ones(src.shape[0], dtype=jnp.float32)
    deg = jax.ops.segment_sum(ones, dst, num_segments=n)
    deg_inv_sqrt = jnp.where(deg > 0, 1.0 / jnp.sqrt(deg), 0.0)
    norm = deg_inv_sqrt[src] * deg_inv_sqrt[dst]
    msg = h[src] * norm[:, None]
    out = jax.ops.segment_sum(msg, dst, num_segments=n)
    out = out + b
    return out

if __name__ == "__main__":
    import jax
    _d = setup_inputs()
    print(jax.jit(kernel)(*tuple(_d.values())))

</pallas_src>

<mosaic_0001>
#map = affine_map<(d0, d1) -> (0, 0, 0)>
#map1 = affine_map<(d0, d1) -> (0)>
#map2 = affine_map<(d0, d1) -> (0, 0)>
module attributes {stable_mosaic.version = 14 : i64} {
  func.func @deg_kernel(%arg0: i32, %arg1: i32, %arg2: memref<32x80x128xi32, #tpu.memory_space<hbm>>, %arg3: memref<10112xf32, #tpu.memory_space<hbm>>, %arg4: memref<2x10112xf32, #tpu.memory_space<hbm>>, %arg5: memref<10112xf32, #tpu.memory_space<vmem_shared>>, %arg6: memref<80x128xi32, #tpu.memory_space<vmem>>, %arg7: memref<128xf32, #tpu.memory_space<vmem>>, %arg8: memref<!tpu.dma_semaphore, #tpu.memory_space<semaphore_mem>>) attributes {dimension_semantics = [#tpu.dimension_semantics<core_parallel>, #tpu.dimension_semantics<subcore_parallel>], iteration_bounds = array<i64: 2, 16>, scalar_prefetch = 0 : i64, scratch_operands = 4 : i64, tpu.core_type = #tpu.core_type<sc_vector_subcore>, window_params = [{transform_indices = #map}, {transform_indices = #map1}, {transform_indices = #map2}]} {
    %broadcast_in_dim3A = arith.constant 1.000000e+00 : f32
    %broadcast_in_dim3A_0 = vector.broadcast %broadcast_in_dim3A : f32 to vector<16xf32>
    %swap3A = arith.constant 0 : index
    %swap3A_1 = tpu.vector_load %arg7[%swap3A] {strides = array<i32>} : memref<128xf32, #tpu.memory_space<vmem>>, vector<16xf32>,
    %swap3A_2 = vector.shape_cast %swap3A_1 : vector<16xf32> to vector<16xf32>
    %swap3A_3 = vector.shape_cast %broadcast_in_dim3A_0 : vector<16xf32> to vector<16xf32>
    tpu.vector_store %arg7[%swap3A], %swap3A_3 {strides = array<i32>} : memref<128xf32, #tpu.memory_space<vmem>>, vector<16xf32>,
    %broadcast_in_dim3A_4 = arith.constant 1.000000e+00 : f32
    %broadcast_in_dim3A_5 = vector.broadcast %broadcast_in_dim3A_4 : f32 to vector<16xf32>
    %swap3A_6 = arith.constant 16 : index
    %swap3A_7 = tpu.vector_load %arg7[%swap3A_6] {strides = array<i32>} : memref<128xf32, #tpu.memory_space<vmem>>, vector<16xf32>,
    %swap3A_8 = vector.shape_cast %swap3A_7 : vector<16xf32> to vector<16xf32>
    %swap3A_9 = vector.shape_cast %broadcast_in_dim3A_5 : vector<16xf32> to vector<16xf32>
    tpu.vector_store %arg7[%swap3A_6], %swap3A_9 {strides = array<i32>} : memref<128xf32, #tpu.memory_space<vmem>>, vector<16xf32>,
    %broadcast_in_dim3A_10 = arith.constant 1.000000e+00 : f32
    %broadcast_in_dim3A_11 = vector.broadcast %broadcast_in_dim3A_10 : f32 to vector<16xf32>
    %swap3A_12 = arith.constant 32 : index
    %swap3A_13 = tpu.vector_load %arg7[%swap3A_12] {strides = array<i32>} : memref<128xf32, #tpu.memory_space<vmem>>, vector<16xf32>,
    %swap3A_14 = vector.shape_cast %swap3A_13 : vector<16xf32> to vector<16xf32>
    %swap3A_15 = vector.shape_cast %broadcast_in_dim3A_11 : vector<16xf32> to vector<16xf32>
    tpu.vector_store %arg7[%swap3A_12], %swap3A_15 {strides = array<i32>} : memref<128xf32, #tpu.memory_space<vmem>>, vector<16xf32>,
    %broadcast_in_dim3A_16 = arith.constant 1.000000e+00 : f32
    %broadcast_in_dim3A_17 = vector.broadcast %broadcast_in_dim3A_16 : f32 to vector<16xf32>
    %swap3A_18 = arith.constant 48 : index
    %swap3A_19 = tpu.vector_load %arg7[%swap3A_18] {strides = array<i32>} : memref<128xf32, #tpu.memory_space<vmem>>, vector<16xf32>,
    %swap3A_20 = vector.shape_cast %swap3A_19 : vector<16xf32> to vector<16xf32>
    %swap3A_21 = vector.shape_cast %broadcast_in_dim3A_17 : vector<16xf32> to vector<16xf32>
    tpu.vector_store %arg7[%swap3A_18], %swap3A_21 {strides = array<i32>} : memref<128xf32, #tpu.memory_space<vmem>>, vector<16xf32>,
    %broadcast_in_dim3A_22 = arith.constant 1.000000e+00 : f32
    %broadcast_in_dim3A_23 = vector.broadcast %broadcast_in_dim3A_22 : f32 to vector<16xf32>
    %swap3A_24 = arith.constant 64 : index
    %swap3A_25 = tpu.vector_load %arg7[%swap3A_24] {strides = array<i32>} : memref<128xf32, #tpu.memory_space<vmem>>, vector<16xf32>,
    %swap3A_26 = vector.shape_cast %swap3A_25 : vector<16xf32> to vector<16xf32>
    %swap3A_27 = vector.shape_cast %broadcast_in_dim3A_23 : vector<16xf32> to vector<16xf32>
    tpu.vector_store %arg7[%swap3A_24], %swap3A_27 {strides = array<i32>} : memref<128xf32, #tpu.memory_space<vmem>>, vector<16xf32>,
    %broadcast_in_dim3A_28 = arith.constant 1.000000e+00 : f32
    %broadcast_in_dim3A_29 = vector.broadcast %broadcast_in_dim3A_28 : f32 to vector<16xf32>
    %swap3A_30 = arith.constant 80 : index
    %swap3A_31 = tpu.vector_load %arg7[%swap3A_30] {strides = array<i32>} : memref<128xf32, #tpu.memory_space<vmem>>, vector<16xf32>,
    %swap3A_32 = vector.shape_cast %swap3A_31 : vector<16xf32> to vector<16xf32>
    %swap3A_33 = vector.shape_cast %broadcast_in_dim3A_29 : vector<16xf32> to vector<16xf32>
    tpu.vector_store %arg7[%swap3A_30], %swap3A_33 {strides = array<i32>} : memref<128xf32, #tpu.memory_space<vmem>>, vector<16xf32>,
    %broadcast_in_dim3A_34 = arith.constant 1.000000e+00 : f32
    %broadcast_in_dim3A_35 = vector.broadcast %broadcast_in_dim3A_34 : f32 to vector<16xf32>
    %swap3A_36 = arith.constant 96 : index
    %swap3A_37 = tpu.vector_load %arg7[%swap3A_36] {strides = array<i32>} : memref<128xf32, #tpu.memory_space<vmem>>, vector<16xf32>,
    %swap3A_38 = vector.shape_cast %swap3A_37 : vector<16xf32> to vector<16xf32>
    %swap3A_39 = vector.shape_cast %broadcast_in_dim3A_35 : vector<16xf32> to vector<16xf32>
    tpu.vector_store %arg7[%swap3A_36], %swap3A_39 {strides = array<i32>} : memref<128xf32, #tpu.memory_space<vmem>>, vector<16xf32>,
    %broadcast_in_dim3A_40 = arith.constant 1.000000e+00 : f32
    %broadcast_in_dim3A_41 = vector.broadcast %broadcast_in_dim3A_40 : f32 to vector<16xf32>
    %swap3A_42 = arith.constant 112 : index
    %swap3A_43 = tpu.vector_load %arg7[%swap3A_42] {strides = array<i32>} : memref<128xf32, #tpu.memory_space<vmem>>, vector<16xf32>,
    %swap3A_44 = vector.shape_cast %swap3A_43 : vector<16xf32> to vector<16xf32>
    %swap3A_45 = vector.shape_cast %broadcast_in_dim3A_41 : vector<16xf32> to vector<16xf32>
    tpu.vector_store %arg7[%swap3A_42], %swap3A_45 {strides = array<i32>} : memref<128xf32, #tpu.memory_space<vmem>>, vector<16xf32>,
    %eq3A = arith.constant 0 : i32
    %eq3A_46 = arith.cmpi eq, %arg1, %eq3A : i32
    %convert_element_type3A = arith.extui %eq3A_46 : i1 to i32
    %cond3A = arith.constant 0 : i32
    %cond3A_47 = arith.cmpi ne, %convert_element_type3A, %cond3A : i32
    scf.if %cond3A_47 {
      "tpu.region"() ({
        %run_scoped3A = tpu.sem_alloc : memref<!tpu.dma_semaphore, #tpu.memory_space<semaphore_mem>>
        tpu.enqueue_dma source(%arg3 : memref<10112xf32, #tpu.memory_space<hbm>>) target(%arg5 : memref<10112xf32, #tpu.memory_space<vmem_shared>>) target_semaphore(%run_scoped3A : memref<!tpu.dma_semaphore, #tpu.memory_space<semaphore_mem>>)
        tpu.wait_dma2 semaphore(%run_scoped3A : memref<!tpu.dma_semaphore, #tpu.memory_space<semaphore_mem>>) src(%arg3 : memref<10112xf32, #tpu.memory_space<hbm>>) dst(%arg5 : memref<10112xf32, #tpu.memory_space<vmem_shared>>)
        tpu.yield
      }) : () -> ()
    } else {
    }
    %mul3A = arith.constant 16 : i32
    %mul3A_48 = arith.muli %arg0, %mul3A : i32
    %add3A = arith.addi %mul3A_48, %arg1 : i32
    %eq3A_49 = arith.constant 0 : i32
    %eq3A_50 = arith.cmpi eq, %arg0, %eq3A_49 : i32
    %select_n3A = arith.constant 80 : i32
    %select_n3A_51 = arith.constant 80 : i32
    %select_n3A_52 = arith.select %eq3A_50, %select_n3A_51, %select_n3A : i32
    "tpu.region"() ({
      %run_scoped3A = tpu.sem_alloc : memref<!tpu.dma_semaphore, #tpu.memory_space<semaphore_mem>>
      %dma_start3A = arith.constant 0 : i32
      %dma_start3A_78 = arith.constant 0 : i32
      %dma_start3A_79 = tpu.memref_slice %arg2[%add3A, %dma_start3A, %dma_start3A_78] : memref<32x80x128xi32, #tpu.memory_space<hbm>> -> memref<1x80x128xi32, #tpu.memory_space<hbm>>
      %dma_start3A_80 = tpu.memref_squeeze %dma_start3A_79 : memref<1x80x128xi32, #tpu.memory_space<hbm>> -> memref<80x128xi32, #tpu.memory_space<hbm>>
      %dma_start3A_81 = arith.constant 0 : i32
      %dma_start3A_82 = arith.constant 0 : i32
      %dma_start3A_83 = tpu.memref_slice %arg2[%add3A, %dma_start3A_81, %dma_start3A_82] : memref<32x80x128xi32, #tpu.memory_space<hbm>> -> memref<1x80x128xi32, #tpu.memory_space<hbm>>
      %dma_start3A_84 = tpu.memref_squeeze %dma_start3A_83 : memref<1x80x128xi32, #tpu.memory_space<hbm>> -> memref<80x128xi32, #tpu.memory_space<hbm>>
      tpu.enqueue_dma source(%dma_start3A_84 : memref<80x128xi32, #tpu.memory_space<hbm>>) target(%arg6 : memref<80x128xi32, #tpu.memory_space<vmem>>) target_semaphore(%run_scoped3A : memref<!tpu.dma_semaphore, #tpu.memory_space<semaphore_mem>>)
      %dma_wait3A = arith.constant 0 : i32
      %dma_wait3A_85 = arith.constant 0 : i32
      %dma_wait3A_86 = tpu.memref_slice %arg2[%add3A, %dma_wait3A, %dma_wait3A_85] : memref<32x80x128xi32, #tpu.memory_space<hbm>> -> memref<1x80x128xi32, #tpu.memory_space<hbm>>
      %dma_wait3A_87 = tpu.memref_squeeze %dma_wait3A_86 : memref<1x80x128xi32, #tpu.memory_space<hbm>> -> memref<80x128xi32, #tpu.memory_space<hbm>>
      %dma_wait3A_88 = arith.constant 0 : i32
      %dma_wait3A_89 = arith.constant 0 : i32
      %dma_wait3A_90 = tpu.memref_slice %arg2[%add3A, %dma_wait3A_88, %dma_wait3A_89] : memref<32x80x128xi32, #tpu.memory_space<hbm>> -> memref<1x80x128xi32, #tpu.memory_space<hbm>>
      %dma_wait3A_91 = tpu.memref_squeeze %dma_wait3A_90 : memref<1x80x128xi32, #tpu.memory_space<hbm>> -> memref<80x128xi32, #tpu.memory_space<hbm>>
      tpu.wait_dma2 semaphore(%run_scoped3A : memref<!tpu.dma_semaphore, #tpu.memory_space<semaphore_mem>>) src(%dma_wait3A_91 : memref<80x128xi32, #tpu.memory_space<hbm>>) dst(%arg6 : memref<80x128xi32, #tpu.memory_space<vmem>>)
      tpu.yield
    }) : () -> ()
    %barrier3A = arith.constant 0 : index
    tpu.barrier barrier_id(%barrier3A)
    %while3A = arith.constant 0 : i32
    %while3A_53 = arith.constant 0 : i32
    %while3A_54 = arith.subi %select_n3A_52, %while3A_53 : i32
    %while3A_55 = arith.addi %while3A_53, %while3A_54 : i32
    %while3A_56 = arith.constant 1 : i32
    %while3A_57 = arith.divsi %while3A_54, %while3A_56 : i32
    %while3A_58 = arith.muli %while3A_57, %while3A_56 : i32
    %while3A_59 = arith.addi %while3A_53, %while3A_58 : i32
    %while3A_60 = arith.constant 1 : i32
    scf.for %while3A_78 = %while3A_53 to %while3A_59 step %while3A_60  : i32 {
      %dma_start3A = arith.constant 0 : i32
      %dma_start3A_79 = tpu.memref_slice %arg6[%while3A_78, %dma_start3A] : memref<80x128xi32, #tpu.memory_space<vmem>> -> memref<1x128xi32, #tpu.memory_space<vmem>>
      %dma_start3A_80 = tpu.memref_squeeze %dma_start3A_79 : memref<1x128xi32, #tpu.memory_space<vmem>> -> memref<128xi32, #tpu.memory_space<vmem>>
      %dma_start3A_81 = arith.constant 0 : i32
      %dma_start3A_82 = tpu.memref_slice %arg5[%dma_start3A_81] : memref<10112xf32, #tpu.memory_space<vmem_shared>> -> memref<10112xf32, #tpu.memory_space<vmem_shared>>
      tpu.enqueue_indirect_dma source(%arg7 : memref<128xf32, #tpu.memory_space<vmem>>) target(%dma_start3A_82 : memref<10112xf32, #tpu.memory_space<vmem_shared>>) offsets(%dma_start3A_80 : memref<128xi32, #tpu.memory_space<vmem>>) semaphore(%arg8 : memref<!tpu.dma_semaphore, #tpu.memory_space<semaphore_mem>>) {add = true}
    }
    %while3A_61 = arith.constant 1 : i32
    scf.for %while3A_78 = %while3A_59 to %while3A_55 step %while3A_61  : i32 {
      %dma_start3A = arith.constant 0 : i32
      %dma_start3A_79 = tpu.memref_slice %arg6[%while3A_78, %dma_start3A] : memref<80x128xi32, #tpu.memory_space<vmem>> -> memref<1x128xi32, #tpu.memory_space<vmem>>
      %dma_start3A_80 = tpu.memref_squeeze %dma_start3A_79 : memref<1x128xi32, #tpu.memory_space<vmem>> -> memref<128xi32, #tpu.memory_space<vmem>>
      %dma_start3A_81 = arith.constant 0 : i32
      %dma_start3A_82 = tpu.memref_slice %arg5[%dma_start3A_81] : memref<10112xf32, #tpu.memory_space<vmem_shared>> -> memref<10112xf32, #tpu.memory_space<vmem_shared>>
      tpu.enqueue_indirect_dma source(%arg7 : memref<128xf32, #tpu.memory_space<vmem>>) target(%dma_start3A_82 : memref<10112xf32, #tpu.memory_space<vmem_shared>>) offsets(%dma_start3A_80 : memref<128xi32, #tpu.memory_space<vmem>>) semaphore(%arg8 : memref<!tpu.dma_semaphore, #tpu.memory_space<semaphore_mem>>) {add = true}
    }
    %while3A_62 = arith.constant 0 : i32
    %while3A_63 = arith.constant 0 : i32
    %while3A_64 = arith.subi %select_n3A_52, %while3A_63 : i32
    %while3A_65 = arith.addi %while3A_63, %while3A_64 : i32
    %while3A_66 = arith.constant 1 : i32
    %while3A_67 = arith.divsi %while3A_64, %while3A_66 : i32
    %while3A_68 = arith.muli %while3A_67, %while3A_66 : i32
    %while3A_69 = arith.addi %while3A_63, %while3A_68 : i32
    %while3A_70 = arith.constant 1 : i32
    scf.for %while3A_78 = %while3A_63 to %while3A_69 step %while3A_70  : i32 {
      %dma_wait3A = arith.constant 0 : i32
      %dma_wait3A_79 = arith.constant 0 : i32
      %dma_wait3A_80 = tpu.memref_slice %arg6[%dma_wait3A, %dma_wait3A_79] : memref<80x128xi32, #tpu.memory_space<vmem>> -> memref<1x128xi32, #tpu.memory_space<vmem>>
      %dma_wait3A_81 = tpu.memref_squeeze %dma_wait3A_80 : memref<1x128xi32, #tpu.memory_space<vmem>> -> memref<128xi32, #tpu.memory_space<vmem>>
      %dma_wait3A_82 = arith.constant 0 : i32
      %dma_wait3A_83 = tpu.memref_slice %arg5[%dma_wait3A_82] : memref<10112xf32, #tpu.memory_space<vmem_shared>> -> memref<10112xf32, #tpu.memory_space<vmem_shared>>
      tpu.wait_indirect_dma semaphore(%arg8 : memref<!tpu.dma_semaphore, #tpu.memory_space<semaphore_mem>>) src(%arg7 : memref<128xf32, #tpu.memory_space<vmem>>) dst(%dma_wait3A_83 : memref<10112xf32, #tpu.memory_space<vmem_shared>>)
    }
    %while3A_71 = arith.constant 1 : i32
    scf.for %while3A_78 = %while3A_69 to %while3A_65 step %while3A_71  : i32 {
      %dma_wait3A = arith.constant 0 : i32
      %dma_wait3A_79 = arith.constant 0 : i32
      %dma_wait3A_80 = tpu.memref_slice %arg6[%dma_wait3A, %dma_wait3A_79] : memref<80x128xi32, #tpu.memory_space<vmem>> -> memref<1x128xi32, #tpu.memory_space<vmem>>
      %dma_wait3A_81 = tpu.memref_squeeze %dma_wait3A_80 : memref<1x128xi32, #tpu.memory_space<vmem>> -> memref<128xi32, #tpu.memory_space<vmem>>
      %dma_wait3A_82 = arith.constant 0 : i32
      %dma_wait3A_83 = tpu.memref_slice %arg5[%dma_wait3A_82] : memref<10112xf32, #tpu.memory_space<vmem_shared>> -> memref<10112xf32, #tpu.memory_space<vmem_shared>>
      tpu.wait_indirect_dma semaphore(%arg8 : memref<!tpu.dma_semaphore, #tpu.memory_space<semaphore_mem>>) src(%arg7 : memref<128xf32, #tpu.memory_space<vmem>>) dst(%dma_wait3A_83 : memref<10112xf32, #tpu.memory_space<vmem_shared>>)
    }
    %barrier3A_72 = arith.constant 0 : index
    tpu.barrier barrier_id(%barrier3A_72)
    %eq3A_73 = arith.constant 0 : i32
    %eq3A_74 = arith.cmpi eq, %arg1, %eq3A_73 : i32
    %convert_element_type3A_75 = arith.extui %eq3A_74 : i1 to i32
    %cond3A_76 = arith.constant 0 : i32
    %cond3A_77 = arith.cmpi ne, %convert_element_type3A_75, %cond3A_76 : i32
    scf.if %cond3A_77 {
      "tpu.region"() ({
        %run_scoped3A = tpu.sem_alloc : memref<!tpu.dma_semaphore, #tpu.memory_space<semaphore_mem>>
        %dma_start3A = arith.constant 0 : i32
        %dma_start3A_78 = tpu.memref_slice %arg4[%arg0, %dma_start3A] : memref<2x10112xf32, #tpu.memory_space<hbm>> -> memref<1x10112xf32, #tpu.memory_space<hbm>>
        %dma_start3A_79 = tpu.memref_squeeze %dma_start3A_78 : memref<1x10112xf32, #tpu.memory_space<hbm>> -> memref<10112xf32, #tpu.memory_space<hbm>>
        tpu.enqueue_dma source(%arg5 : memref<10112xf32, #tpu.memory_space<vmem_shared>>) target(%dma_start3A_79 : memref<10112xf32, #tpu.memory_space<hbm>>) target_semaphore(%run_scoped3A : memref<!tpu.dma_semaphore, #tpu.memory_space<semaphore_mem>>)
        %dma_wait3A = arith.constant 0 : i32
        %dma_wait3A_80 = tpu.memref_slice %arg4[%arg0, %dma_wait3A] : memref<2x10112xf32, #tpu.memory_space<hbm>> -> memref<1x10112xf32, #tpu.memory_space<hbm>>
        %dma_wait3A_81 = tpu.memref_squeeze %dma_wait3A_80 : memref<1x10112xf32, #tpu.memory_space<hbm>> -> memref<10112xf32, #tpu.memory_space<hbm>>
        tpu.wait_dma2 semaphore(%run_scoped3A : memref<!tpu.dma_semaphore, #tpu.memory_space<semaphore_mem>>) src(%arg5 : memref<10112xf32, #tpu.memory_space<vmem_shared>>) dst(%dma_wait3A_81 : memref<10112xf32, #tpu.memory_space<hbm>>)
        tpu.yield
      }) : () -> ()
    } else {
    }
    return
  }
}

#map = affine_map<(d0, d1) -> (0, 0, 0)>
#map1 = affine_map<(d0, d1) -> (0, 0)>
module attributes {stable_mosaic.version = 14 : i64} {
  func.func @agg_kernel(%arg0: i32, %arg1: i32, %arg2: memref<32x80x128xi32, #tpu.memory_space<hbm>>, %arg3: memref<32x80x128xi32, #tpu.memory_space<hbm>>, %arg4: memref<10112x128xf32, #tpu.memory_space<hbm>>, %arg5: memref<10112x128xf32, #tpu.memory_space<hbm>>, %arg6: memref<2x10112x128xf32, #tpu.memory_space<hbm>>, %arg7: memref<10112x128xf32, #tpu.memory_space<vmem_shared>>, %arg8: memref<8x128xi32, #tpu.memory_space<vmem>>, %arg9: memref<8x128xi32, #tpu.memory_space<vmem>>, %arg10: memref<2x128x128xf32, #tpu.memory_space<vmem>>, %arg11: memref<!tpu.dma_semaphore, #tpu.memory_space<semaphore_mem>>, %arg12: memref<!tpu.dma_semaphore, #tpu.memory_space<semaphore_mem>>, %arg13: memref<!tpu.dma_semaphore, #tpu.memory_space<semaphore_mem>>, %arg14: memref<!tpu.dma_semaphore, #tpu.memory_space<semaphore_mem>>) attributes {dimension_semantics = [#tpu.dimension_semantics<core_parallel>, #tpu.dimension_semantics<subcore_parallel>], iteration_bounds = array<i64: 2, 16>, scalar_prefetch = 0 : i64, scratch_operands = 8 : i64, tpu.core_type = #tpu.core_type<sc_vector_subcore>, window_params = [{transform_indices = #map}, {transform_indices = #map}, {transform_indices = #map1}, {transform_indices = #map1}, {transform_indices = #map}]} {
    %eq3A = arith.constant 0 : i32
    %eq3A_0 = arith.cmpi eq, %arg0, %eq3A : i32
    %convert_element_type3A = arith.extui %eq3A_0 : i1 to i32
    %cond3A = arith.constant 0 : i32
    %cond3A_1 = arith.cmpi ne, %convert_element_type3A, %cond3A : i32
    scf.if %cond3A_1 {
      %mul3A_26 = arith.constant 632 : i32
      %mul3A_27 = arith.muli %arg1, %mul3A_26 : i32
      %mul3A_28 = arith.constant 632 : i32
      %mul3A_29 = arith.muli %arg1, %mul3A_28 : i32
      "tpu.region"() ({
        %run_scoped3A = tpu.sem_alloc : memref<!tpu.dma_semaphore, #tpu.memory_space<semaphore_mem>>
        %dma_start3A = arith.constant 0 : i32
        %dma_start3A_30 = tpu.memref_slice %arg7[%mul3A_29, %dma_start3A] : memref<10112x128xf32, #tpu.memory_space<vmem_shared>> -> memref<632x128xf32, #tpu.memory_space<vmem_shared>>
        %dma_start3A_31 = arith.constant 0 : i32
        %dma_start3A_32 = tpu.memref_slice %arg4[%mul3A_27, %dma_start3A_31] : memref<10112x128xf32, #tpu.memory_space<hbm>> -> memref<632x128xf32, #tpu.memory_space<hbm>>
        tpu.enqueue_dma source(%dma_start3A_32 : memref<632x128xf32, #tpu.memory_space<hbm>>) target(%dma_start3A_30 : memref<632x128xf32, #tpu.memory_space<vmem_shared>>) target_semaphore(%run_scoped3A : memref<!tpu.dma_semaphore, #tpu.memory_space<semaphore_mem>>)
        %dma_wait3A = arith.constant 0 : i32
        %dma_wait3A_33 = tpu.memref_slice %arg7[%mul3A_29, %dma_wait3A] : memref<10112x128xf32, #tpu.memory_space<vmem_shared>> -> memref<632x128xf32, #tpu.memory_space<vmem_shared>>
        %dma_wait3A_34 = arith.constant 0 : i32
        %dma_wait3A_35 = tpu.memref_slice %arg4[%mul3A_27, %dma_wait3A_34] : memref<10112x128xf32, #tpu.memory_space<hbm>> -> memref<632x128xf32, #tpu.memory_space<hbm>>
        tpu.wait_dma2 semaphore(%run_scoped3A : memref<!tpu.dma_semaphore, #tpu.memory_space<semaphore_mem>>) src(%dma_wait3A_35 : memref<632x128xf32, #tpu.memory_space<hbm>>) dst(%dma_wait3A_33 : memref<632x128xf32, #tpu.memory_space<vmem_shared>>)
        tpu.yield
      }) : () -> ()
    } else {
    }
    %eq3A_2 = arith.constant 1 : i32
    %eq3A_3 = arith.cmpi eq, %arg0, %eq3A_2 : i32
    %convert_element_type3A_4 = arith.extui %eq3A_3 : i1 to i32
    %cond3A_5 = arith.constant 0 : i32
    %cond3A_6 = arith.cmpi ne, %convert_element_type3A_4, %cond3A_5 : i32
    scf.if %cond3A_6 {
      %mul3A_26 = arith.constant 632 : i32
      %mul3A_27 = arith.muli %arg1, %mul3A_26 : i32
      %mul3A_28 = arith.constant 632 : i32
      %mul3A_29 = arith.muli %arg1, %mul3A_28 : i32
      "tpu.region"() ({
        %run_scoped3A = tpu.sem_alloc : memref<!tpu.dma_semaphore, #tpu.memory_space<semaphore_mem>>
        %dma_start3A = arith.constant 0 : i32
        %dma_start3A_30 = tpu.memref_slice %arg7[%mul3A_29, %dma_start3A] : memref<10112x128xf32, #tpu.memory_space<vmem_shared>> -> memref<632x128xf32, #tpu.memory_space<vmem_shared>>
        %dma_start3A_31 = arith.constant 0 : i32
        %dma_start3A_32 = tpu.memref_slice %arg5[%mul3A_27, %dma_start3A_31] : memref<10112x128xf32, #tpu.memory_space<hbm>> -> memref<632x128xf32, #tpu.memory_space<hbm>>
        tpu.enqueue_dma source(%dma_start3A_32 : memref<632x128xf32, #tpu.memory_space<hbm>>) target(%dma_start3A_30 : memref<632x128xf32, #tpu.memory_space<vmem_shared>>) target_semaphore(%run_scoped3A : memref<!tpu.dma_semaphore, #tpu.memory_space<semaphore_mem>>)
        %dma_wait3A = arith.constant 0 : i32
        %dma_wait3A_33 = tpu.memref_slice %arg7[%mul3A_29, %dma_wait3A] : memref<10112x128xf32, #tpu.memory_space<vmem_shared>> -> memref<632x128xf32, #tpu.memory_space<vmem_shared>>
        %dma_wait3A_34 = arith.constant 0 : i32
        %dma_wait3A_35 = tpu.memref_slice %arg5[%mul3A_27, %dma_wait3A_34] : memref<10112x128xf32, #tpu.memory_space<hbm>> -> memref<632x128xf32, #tpu.memory_space<hbm>>
        tpu.wait_dma2 semaphore(%run_scoped3A : memref<!tpu.dma_semaphore, #tpu.memory_space<semaphore_mem>>) src(%dma_wait3A_35 : memref<632x128xf32, #tpu.memory_space<hbm>>) dst(%dma_wait3A_33 : memref<632x128xf32, #tpu.memory_space<vmem_shared>>)
        tpu.yield
      }) : () -> ()
    } else {
    }
    %mul3A = arith.constant 16 : i32
    %mul3A_7 = arith.muli %arg0, %mul3A : i32
    %add3A = arith.addi %mul3A_7, %arg1 : i32
    %barrier3A = arith.constant 0 : index
    tpu.barrier barrier_id(%barrier3A)
    %eq3A_8 = arith.constant 0 : i32
    %eq3A_9 = arith.cmpi eq, %arg0, %eq3A_8 : i32
    %select_n3A = arith.constant 10 : i32
    %select_n3A_10 = arith.constant 10 : i32
    %select_n3A_11 = arith.select %eq3A_9, %select_n3A_10, %select_n3A : i32
    %while3A = arith.constant 0 : i32
    %while3A_12 = arith.constant 0 : i32
    %while3A_13 = arith.subi %select_n3A_11, %while3A_12 : i32
    %while3A_14 = arith.addi %while3A_12, %while3A_13 : i32
    %while3A_15 = arith.constant 1 : i32
    %while3A_16 = arith.divsi %while3A_13, %while3A_15 : i32
    %while3A_17 = arith.muli %while3A_16, %while3A_15 : i32
    %while3A_18 = arith.addi %while3A_12, %while3A_17 : i32
    %while3A_19 = arith.constant 1 : i32
    scf.for %while3A_26 = %while3A_12 to %while3A_18 step %while3A_19  : i32 {
      %mul3A_27 = arith.constant 8 : i32
      %mul3A_28 = arith.muli %while3A_26, %mul3A_27 : i32
      "tpu.region"() ({
        %run_scoped3A_236 = tpu.sem_alloc : memref<!tpu.dma_semaphore, #tpu.memory_space<semaphore_mem>>
        %dma_start3A_237 = arith.constant 0 : i32
        %dma_start3A_238 = tpu.memref_slice %arg2[%add3A, %mul3A_28, %dma_start3A_237] : memref<32x80x128xi32, #tpu.memory_space<hbm>> -> memref<1x8x128xi32, #tpu.memory_space<hbm>>
        %dma_start3A_239 = tpu.memref_squeeze %dma_start3A_238 : memref<1x8x128xi32, #tpu.memory_space<hbm>> -> memref<8x128xi32, #tpu.memory_space<hbm>>
        %dma_start3A_240 = arith.constant 0 : i32
        %dma_start3A_241 = tpu.memref_slice %arg2[%add3A, %mul3A_28, %dma_start3A_240] : memref<32x80x128xi32, #tpu.memory_space<hbm>> -> memref<1x8x128xi32, #tpu.memory_space<hbm>>
        %dma_start3A_242 = tpu.memref_squeeze %dma_start3A_241 : memref<1x8x128xi32, #tpu.memory_space<hbm>> -> memref<8x128xi32, #tpu.memory_space<hbm>>
        tpu.enqueue_dma source(%dma_start3A_242 : memref<8x128xi32, #tpu.memory_space<hbm>>) target(%arg8 : memref<8x128xi32, #tpu.memory_space<vmem>>) target_semaphore(%run_scoped3A_236 : memref<!tpu.dma_semaphore, #tpu.memory_space<semaphore_mem>>)
        %dma_wait3A_243 = arith.constant 0 : i32
        %dma_wait3A_244 = tpu.memref_slice %arg2[%add3A, %mul3A_28, %dma_wait3A_243] : memref<32x80x128xi32, #tpu.memory_space<hbm>> -> memref<1x8x128xi32, #tpu.memory_space<hbm>>
        %dma_wait3A_245 = tpu.memref_squeeze %dma_wait3A_244 : memref<1x8x128xi32, #tpu.memory_space<hbm>> -> memref<8x128xi32, #tpu.memory_space<hbm>>
        %dma_wait3A_246 = arith.constant 0 : i32
        %dma_wait3A_247 = tpu.memref_slice %arg2[%add3A, %mul3A_28, %dma_wait3A_246] : memref<32x80x128xi32, #tpu.memory_space<hbm>> -> memref<1x8x128xi32, #tpu.memory_space<hbm>>
        %dma_wait3A_248 = tpu.memref_squeeze %dma_wait3A_247 : memref<1x8x128xi32, #tpu.memory_space<hbm>> -> memref<8x128xi32, #tpu.memory_space<hbm>>
        tpu.wait_dma2 semaphore(%run_scoped3A_236 : memref<!tpu.dma_semaphore, #tpu.memory_space<semaphore_mem>>) src(%dma_wait3A_248 : memref<8x128xi32, #tpu.memory_space<hbm>>) dst(%arg8 : memref<8x128xi32, #tpu.memory_space<vmem>>)
        tpu.yield
      }) : () -> ()
      %mul3A_29 = arith.constant 8 : i32
      %mul3A_30 = arith.muli %while3A_26, %mul3A_29 : i32
      "tpu.region"() ({
        %run_scoped3A_236 = tpu.sem_alloc : memref<!tpu.dma_semaphore, #tpu.memory_space<semaphore_mem>>
        %dma_start3A_237 = arith.constant 0 : i32
        %dma_start3A_238 = tpu.memref_slice %arg3[%add3A, %mul3A_30, %dma_start3A_237] : memref<32x80x128xi32, #tpu.memory_space<hbm>> -> memref<1x8x128xi32, #tpu.memory_space<hbm>>
        %dma_start3A_239 = tpu.memref_squeeze %dma_start3A_238 : memref<1x8x128xi32, #tpu.memory_space<hbm>> -> memref<8x128xi32, #tpu.memory_space<hbm>>
        %dma_start3A_240 = arith.constant 0 : i32
        %dma_start3A_241 = tpu.memref_slice %arg3[%add3A, %mul3A_30, %dma_start3A_240] : memref<32x80x128xi32, #tpu.memory_space<hbm>> -> memref<1x8x128xi32, #tpu.memory_space<hbm>>
        %dma_start3A_242 = tpu.memref_squeeze %dma_start3A_241 : memref<1x8x128xi32, #tpu.memory_space<hbm>> -> memref<8x128xi32, #tpu.memory_space<hbm>>
        tpu.enqueue_dma source(%dma_start3A_242 : memref<8x128xi32, #tpu.memory_space<hbm>>) target(%arg9 : memref<8x128xi32, #tpu.memory_space<vmem>>) target_semaphore(%run_scoped3A_236 : memref<!tpu.dma_semaphore, #tpu.memory_space<semaphore_mem>>)
        %dma_wait3A_243 = arith.constant 0 : i32
        %dma_wait3A_244 = tpu.memref_slice %arg3[%add3A, %mul3A_30, %dma_wait3A_243] : memref<32x80x128xi32, #tpu.memory_space<hbm>> -> memref<1x8x128xi32, #tpu.memory_space<hbm>>
        %dma_wait3A_245 = tpu.memref_squeeze %dma_wait3A_244 : memref<1x8x128xi32, #tpu.memory_space<hbm>> -> memref<8x128xi32, #tpu.memory_space<hbm>>
        %dma_wait3A_246 = arith.constant 0 : i32
        %dma_wait3A_247 = tpu.memref_slice %arg3[%add3A, %mul3A_30, %dma_wait3A_246] : memref<32x80x128xi32, #tpu.memory_space<hbm>> -> memref<1x8x128xi32, #tpu.memory_space<hbm>>
        %dma_wait3A_248 = tpu.memref_squeeze %dma_wait3A_247 : memref<1x8x128xi32, #tpu.memory_space<hbm>> -> memref<8x128xi32, #tpu.memory_space<hbm>>
        tpu.wait_dma2 semaphore(%run_scoped3A_236 : memref<!tpu.dma_semaphore, #tpu.memory_space<semaphore_mem>>) src(%dma_wait3A_248 : memref<8x128xi32, #tpu.memory_space<hbm>>) dst(%arg9 : memref<8x128xi32, #tpu.memory_space<vmem>>)
        tpu.yield
      }) : () -> ()
      %dma_start3A = arith.constant 0 : i32
      %dma_start3A_31 = arith.constant 0 : i32
      %dma_start3A_32 = arith.constant 0 : i32
      %dma_start3A_33 = arith.constant 0 : i32
      %dma_start3A_34 = tpu.memref_slice %arg10[%dma_start3A_31, %dma_start3A_32, %dma_start3A_33] : memref<2x128x128xf32, #tpu.memory_space<vmem>> -> memref<1x128x128xf32, #tpu.memory_space<vmem>>
      %dma_start3A_35 = tpu.memref_squeeze %dma_start3A_34 : memref<1x128x128xf32, #tpu.memory_space<vmem>> -> memref<128x128xf32, #tpu.memory_space<vmem>>
      %dma_start3A_36 = arith.constant 0 : i32
      %dma_start3A_37 = tpu.memref_slice %arg8[%dma_start3A, %dma_start3A_36] : memref<8x128xi32, #tpu.memory_space<vmem>> -> memref<1x128xi32, #tpu.memory_space<vmem>>
      %dma_start3A_38 = tpu.memref_squeeze %dma_start3A_37 : memref<1x128xi32, #tpu.memory_space<vmem>> -> memref<128xi32, #tpu.memory_space<vmem>>
      %dma_start3A_39 = arith.constant 0 : i32
      %dma_start3A_40 = arith.constant 0 : i32
      %dma_start3A_41 = tpu.memref_slice %arg4[%dma_start3A_39, %dma_start3A_40] : memref<10112x128xf32, #tpu.memory_space<hbm>> -> memref<10112x128xf32, #tpu.memory_space<hbm>>
      tpu.enqueue_indirect_dma source(%dma_start3A_41 : memref<10112x128xf32, #tpu.memory_space<hbm>>) target(%dma_start3A_35 : memref<128x128xf32, #tpu.memory_space<vmem>>) offsets(%dma_start3A_38 : memref<128xi32, #tpu.memory_space<vmem>>) semaphore(%arg11 : memref<!tpu.dma_semaphore, #tpu.memory_space<semaphore_mem>>)
      %dma_start3A_42 = arith.constant 1 : i32
      %dma_start3A_43 = arith.constant 1 : i32
      %dma_start3A_44 = arith.constant 0 : i32
      %dma_start3A_45 = arith.constant 0 : i32
      %dma_start3A_46 = tpu.memref_slice %arg10[%dma_start3A_43, %dma_start3A_44, %dma_start3A_45] : memref<2x128x128xf32, #tpu.memory_space<vmem>> -> memref<1x128x128xf32, #tpu.memory_space<vmem>>
      %dma_start3A_47 = tpu.memref_squeeze %dma_start3A_46 : memref<1x128x128xf32, #tpu.memory_space<vmem>> -> memref<128x128xf32, #tpu.memory_space<vmem>>
      %dma_start3A_48 = arith.constant 0 : i32
      %dma_start3A_49 = tpu.memref_slice %arg8[%dma_start3A_42, %dma_start3A_48] : memref<8x128xi32, #tpu.memory_space<vmem>> -> memref<1x128xi32, #tpu.memory_space<vmem>>
      %dma_start3A_50 = tpu.memref_squeeze %dma_start3A_49 : memref<1x128xi32, #tpu.memory_space<vmem>> -> memref<128xi32, #tpu.memory_space<vmem>>
      %dma_start3A_51 = arith.constant 0 : i32
      %dma_start3A_52 = arith.constant 0 : i32
      %dma_start3A_53 = tpu.memref_slice %arg4[%dma_start3A_51, %dma_start3A_52] : memref<10112x128xf32, #tpu.memory_space<hbm>> -> memref<10112x128xf32, #tpu.memory_space<hbm>>
      tpu.enqueue_indirect_dma source(%dma_start3A_53 : memref<10112x128xf32, #tpu.memory_space<hbm>>) target(%dma_start3A_47 : memref<128x128xf32, #tpu.memory_space<vmem>>) offsets(%dma_start3A_50 : memref<128xi32, #tpu.memory_space<vmem>>) semaphore(%arg12 : memref<!tpu.dma_semaphore, #tpu.memory_space<semaphore_mem>>)
      %dma_wait3A = arith.constant 0 : i32
      %dma_wait3A_54 = arith.constant 0 : i32
      %dma_wait3A_55 = arith.constant 0 : i32
      %dma_wait3A_56 = arith.constant 0 : i32
      %dma_wait3A_57 = tpu.memref_slice %arg10[%dma_wait3A_54, %dma_wait3A_55, %dma_wait3A_56] : memref<2x128x128xf32, #tpu.memory_space<vmem>> -> memref<1x128x128xf32, #tpu.memory_space<vmem>>
      %dma_wait3A_58 = tpu.memref_squeeze %dma_wait3A_57 : memref<1x128x128xf32, #tpu.memory_space<vmem>> -> memref<128x128xf32, #tpu.memory_space<vmem>>
      %dma_wait3A_59 = arith.constant 0 : i32
      %dma_wait3A_60 = tpu.memref_slice %arg8[%dma_wait3A, %dma_wait3A_59] : memref<8x128xi32, #tpu.memory_space<vmem>> -> memref<1x128xi32, #tpu.memory_space<vmem>>
      %dma_wait3A_61 = tpu.memref_squeeze %dma_wait3A_60 : memref<1x128xi32, #tpu.memory_space<vmem>> -> memref<128xi32, #tpu.memory_space<vmem>>
      %dma_wait3A_62 = arith.constant 0 : i32
      %dma_wait3A_63 = arith.constant 0 : i32
      %dma_wait3A_64 = tpu.memref_slice %arg4[%dma_wait3A_62, %dma_wait3A_63] : memref<10112x128xf32, #tpu.memory_space<hbm>> -> memref<10112x128xf32, #tpu.memory_space<hbm>>
      tpu.wait_indirect_dma semaphore(%arg11 : memref<!tpu.dma_semaphore, #tpu.memory_space<semaphore_mem>>) src(%dma_wait3A_64 : memref<10112x128xf32, #tpu.memory_space<hbm>>) dst(%dma_wait3A_58 : memref<128x128xf32, #tpu.memory_space<vmem>>)
      %run_scoped3A = arith.constant 0 : i32
      %run_scoped3A_65 = arith.constant 0 : i32
      "tpu.region"() ({
        %run_scoped3A_236 = tpu.sem_alloc : memref<!tpu.dma_semaphore, #tpu.memory_space<semaphore_mem>>
        %dma_start3A_237 = arith.constant 0 : i32
        %dma_start3A_238 = arith.constant 0 : i32
        %dma_start3A_239 = tpu.memref_slice %arg10[%run_scoped3A, %dma_start3A_237, %dma_start3A_238] : memref<2x128x128xf32, #tpu.memory_space<vmem>> -> memref<1x128x128xf32, #tpu.memory_space<vmem>>
        %dma_start3A_240 = tpu.memref_squeeze %dma_start3A_239 : memref<1x128x128xf32, #tpu.memory_space<vmem>> -> memref<128x128xf32, #tpu.memory_space<vmem>>
        %dma_start3A_241 = arith.constant 0 : i32
        %dma_start3A_242 = tpu.memref_slice %arg9[%run_scoped3A_65, %dma_start3A_241] : memref<8x128xi32, #tpu.memory_space<vmem>> -> memref<1x128xi32, #tpu.memory_space<vmem>>
        %dma_start3A_243 = tpu.memref_squeeze %dma_start3A_242 : memref<1x128xi32, #tpu.memory_space<vmem>> -> memref<128xi32, #tpu.memory_space<vmem>>
        %dma_start3A_244 = arith.constant 0 : i32
        %dma_start3A_245 = arith.constant 0 : i32
        %dma_start3A_246 = tpu.memref_slice %arg7[%dma_start3A_244, %dma_start3A_245] : memref<10112x128xf32, #tpu.memory_space<vmem_shared>> -> memref<10112x128xf32, #tpu.memory_space<vmem_shared>>
        tpu.enqueue_indirect_dma source(%dma_start3A_240 : memref<128x128xf32, #tpu.memory_space<vmem>>) target(%dma_start3A_246 : memref<10112x128xf32, #tpu.memory_space<vmem_shared>>) offsets(%dma_start3A_243 : memref<128xi32, #tpu.memory_space<vmem>>) semaphore(%run_scoped3A_236 : memref<!tpu.dma_semaphore, #tpu.memory_space<semaphore_mem>>) {add = true}
        %dma_wait3A_247 = arith.constant 0 : i32
        %dma_wait3A_248 = arith.constant 0 : i32
        %dma_wait3A_249 = tpu.memref_slice %arg10[%run_scoped3A, %dma_wait3A_247, %dma_wait3A_248] : memref<2x128x128xf32, #tpu.memory_space<vmem>> -> memref<1x128x128xf32, #tpu.memory_space<vmem>>
        %dma_wait3A_250 = tpu.memref_squeeze %dma_wait3A_249 : memref<1x128x128xf32, #tpu.memory_space<vmem>> -> memref<128x128xf32, #tpu.memory_space<vmem>>
        %dma_wait3A_251 = arith.constant 0 : i32
        %dma_wait3A_252 = tpu.memref_slice %arg9[%run_scoped3A_65, %dma_wait3A_251] : memref<8x128xi32, #tpu.memory_space<vmem>> -> memref<1x128xi32, #tpu.memory_space<vmem>>
        %dma_wait3A_253 = tpu.memref_squeeze %dma_wait3A_252 : memref<1x128xi32, #tpu.memory_space<vmem>> -> memref<128xi32, #tpu.memory_space<vmem>>
        %dma_wait3A_254 = arith.constant 0 : i32
        %dma_wait3A_255 = arith.constant 0 : i32
        %dma_wait3A_256 = tpu.memref_slice %arg7[%dma_wait3A_254, %dma_wait3A_255] : memref<10112x128xf32, #tpu.memory_space<vmem_shared>> -> memref<10112x128xf32, #tpu.memory_space<vmem_shared>>
        tpu.wait_indirect_dma semaphore(%run_scoped3A_236 : memref<!tpu.dma_semaphore, #tpu.memory_space<semaphore_mem>>) src(%dma_wait3A_250 : memref<128x128xf32, #tpu.memory_space<vmem>>) dst(%dma_wait3A_256 : memref<10112x128xf32, #tpu.memory_space<vmem_shared>>)
        tpu.yield
      }) : () -> ()
      %dma_start3A_66 = arith.constant 2 : i32
      %dma_start3A_67 = arith.constant 0 : i32
      %dma_start3A_68 = arith.constant 0 : i32
      %dma_start3A_69 = arith.constant 0 : i32
      %dma_start3A_70 = tpu.memref_slice %arg10[%dma_start3A_67, %dma_start3A_68, %dma_start3A_69] : memref<2x128x128xf32, #tpu.memory_space<vmem>> -> memref<1x128x128xf32, #tpu.memory_space<vmem>>
      %dma_start3A_71 = tpu.memref_squeeze %dma_start3A_70 : memref<1x128x128xf32, #tpu.memory_space<vmem>> -> memref<128x128xf32, #tpu.memory_space<vmem>>
      %dma_start3A_72 = arith.constant 0 : i32
      %dma_start3A_73 = tpu.memref_slice %arg8[%dma_start3A_66, %dma_start3A_72] : memref<8x128xi32, #tpu.memory_space<vmem>> -> memref<1x128xi32, #tpu.memory_space<vmem>>
      %dma_start3A_74 = tpu.memref_squeeze %dma_start3A_73 : memref<1x128xi32, #tpu.memory_space<vmem>> -> memref<128xi32, #tpu.memory_space<vmem>>
      %dma_start3A_75 = arith.constant 0 : i32
      %dma_start3A_76 = arith.constant 0 : i32
      %dma_start3A_77 = tpu.memref_slice %arg4[%dma_start3A_75, %dma_start3A_76] : memref<10112x128xf32, #tpu.memory_space<hbm>> -> memref<10112x128xf32, #tpu.memory_space<hbm>>
      tpu.enqueue_indirect_dma source(%dma_start3A_77 : memref<10112x128xf32, #tpu.memory_space<hbm>>) target(%dma_start3A_71 : memref<128x128xf32, #tpu.memory_space<vmem>>) offsets(%dma_start3A_74 : memref<128xi32, #tpu.memory_space<vmem>>) semaphore(%arg11 : memref<!tpu.dma_semaphore, #tpu.memory_space<semaphore_mem>>)
      %dma_wait3A_78 = arith.constant 1 : i32
      %dma_wait3A_79 = arith.constant 1 : i32
      %dma_wait3A_80 = arith.constant 0 : i32
      %dma_wait3A_81 = arith.constant 0 : i32
      %dma_wait3A_82 = tpu.memref_slice %arg10[%dma_wait3A_79, %dma_wait3A_80, %dma_wait3A_81] : memref<2x128x128xf32, #tpu.memory_space<vmem>> -> memref<1x128x128xf32, #tpu.memory_space<vmem>>
      %dma_wait3A_83 = tpu.memref_squeeze %dma_wait3A_82 : memref<1x128x128xf32, #tpu.memory_space<vmem>> -> memref<128x128xf32, #tpu.memory_space<vmem>>
      %dma_wait3A_84 = arith.constant 0 : i32
      %dma_wait3A_85 = tpu.memref_slice %arg8[%dma_wait3A_78, %dma_wait3A_84] : memref<8x128xi32, #tpu.memory_space<vmem>> -> memref<1x128xi32, #tpu.memory_space<vmem>>
      %dma_wait3A_86 = tpu.memref_squeeze %dma_wait3A_85 : memref<1x128xi32, #tpu.memory_space<vmem>> -> memref<128xi32, #tpu.memory_space<vmem>>
      %dma_wait3A_87 = arith.constant 0 : i32
      %dma_wait3A_88 = arith.constant 0 : i32
      %dma_wait3A_89 = tpu.memref_slice %arg4[%dma_wait3A_87, %dma_wait3A_88] : memref<10112x128xf32, #tpu.memory_space<hbm>> -> memref<10112x128xf32, #tpu.memory_space<hbm>>
      tpu.wait_indirect_dma semaphore(%arg12 : memref<!tpu.dma_semaphore, #tpu.memory_space<semaphore_mem>>) src(%dma_wait3A_89 : memref<10112x128xf32, #tpu.memory_space<hbm>>) dst(%dma_wait3A_83 : memref<128x128xf32, #tpu.memory_space<vmem>>)
      %run_scoped3A_90 = arith.constant 1 : i32
      %run_scoped3A_91 = arith.constant 1 : i32
      "tpu.region"() ({
        %run_scoped3A_236 = tpu.sem_alloc : memref<!tpu.dma_semaphore, #tpu.memory_space<semaphore_mem>>
        %dma_start3A_237 = arith.constant 0 : i32
        %dma_start3A_238 = arith.constant 0 : i32
        %dma_start3A_239 = tpu.memref_slice %arg10[%run_scoped3A_90, %dma_start3A_237, %dma_start3A_238] : memref<2x128x128xf32, #tpu.memory_space<vmem>> -> memref<1x128x128xf32, #tpu.memory_space<vmem>>
        %dma_start3A_240 = tpu.memref_squeeze %dma_start3A_239 : memref<1x128x128xf32, #tpu.memory_space<vmem>> -> memref<128x128xf32, #tpu.memory_space<vmem>>
        %dma_start3A_241 = arith.constant 0 : i32
        %dma_start3A_242 = tpu.memref_slice %arg9[%run_scoped3A_91, %dma_start3A_241] : memref<8x128xi32, #tpu.memory_space<vmem>> -> memref<1x128xi32, #tpu.memory_space<vmem>>
        %dma_start3A_243 = tpu.memref_squeeze %dma_start3A_242 : memref<1x128xi32, #tpu.memory_space<vmem>> -> memref<128xi32, #tpu.memory_space<vmem>>
        %dma_start3A_244 = arith.constant 0 : i32
        %dma_start3A_245 = arith.constant 0 : i32
        %dma_start3A_246 = tpu.memref_slice %arg7[%dma_start3A_244, %dma_start3A_245] : memref<10112x128xf32, #tpu.memory_space<vmem_shared>> -> memref<10112x128xf32, #tpu.memory_space<vmem_shared>>
        tpu.enqueue_indirect_dma source(%dma_start3A_240 : memref<128x128xf32, #tpu.memory_space<vmem>>) target(%dma_start3A_246 : memref<10112x128xf32, #tpu.memory_space<vmem_shared>>) offsets(%dma_start3A_243 : memref<128xi32, #tpu.memory_space<vmem>>) semaphore(%run_scoped3A_236 : memref<!tpu.dma_semaphore, #tpu.memory_space<semaphore_mem>>) {add = true}
        %dma_wait3A_247 = arith.constant 0 : i32
        %dma_wait3A_248 = arith.constant 0 : i32
        %dma_wait3A_249 = tpu.memref_slice %arg10[%run_scoped3A_90, %dma_wait3A_247, %dma_wait3A_248] : memref<2x128x128xf32, #tpu.memory_space<vmem>> -> memref<1x128x128xf32, #tpu.memory_space<vmem>>
        %dma_wait3A_250 = tpu.memref_squeeze %dma_wait3A_249 : memref<1x128x128xf32, #tpu.memory_space<vmem>> -> memref<128x128xf32, #tpu.memory_space<vmem>>
        %dma_wait3A_251 = arith.constant 0 : i32
        %dma_wait3A_252 = tpu.memref_slice %arg9[%run_scoped3A_91, %dma_wait3A_251] : memref<8x128xi32, #tpu.memory_space<vmem>> -> memref<1x128xi32, #tpu.memory_space<vmem>>
        %dma_wait3A_253 = tpu.memref_squeeze %dma_wait3A_252 : memref<1x128xi32, #tpu.memory_space<vmem>> -> memref<128xi32, #tpu.memory_space<vmem>>
        %dma_wait3A_254 = arith.constant 0 : i32
        %dma_wait3A_255 = arith.constant 0 : i32
        %dma_wait3A_256 = tpu.memref_slice %arg7[%dma_wait3A_254, %dma_wait3A_255] : memref<10112x128xf32, #tpu.memory_space<vmem_shared>> -> memref<10112x128xf32, #tpu.memory_space<vmem_shared>>
        tpu.wait_indirect_dma semaphore(%run_scoped3A_236 : memref<!tpu.dma_semaphore, #tpu.memory_space<semaphore_mem>>) src(%dma_wait3A_250 : memref<128x128xf32, #tpu.memory_space<vmem>>) dst(%dma_wait3A_256 : memref<10112x128xf32, #tpu.memory_space<vmem_shared>>)
        tpu.yield
      }) : () -> ()
      %dma_start3A_92 = arith.constant 3 : i32
      %dma_start3A_93 = arith.constant 1 : i32
      %dma_start3A_94 = arith.constant 0 : i32
      %dma_start3A_95 = arith.constant 0 : i32
      %dma_start3A_96 = tpu.memref_slice %arg10[%dma_start3A_93, %dma_start3A_94, %dma_start3A_95] : memref<2x128x128xf32, #tpu.memory_space<vmem>> -> memref<1x128x128xf32, #tpu.memory_space<vmem>>
      %dma_start3A_97 = tpu.memref_squeeze %dma_start3A_96 : memref<1x128x128xf32, #tpu.memory_space<vmem>> -> memref<128x128xf32, #tpu.memory_space<vmem>>
      %dma_start3A_98 = arith.constant 0 : i32
      %dma_start3A_99 = tpu.memref_slice %arg8[%dma_start3A_92, %dma_start3A_98] : memref<8x128xi32, #tpu.memory_space<vmem>> -> memref<1x128xi32, #tpu.memory_space<vmem>>
      %dma_start3A_100 = tpu.memref_squeeze %dma_start3A_99 : memref<1x128xi32, #tpu.memory_space<vmem>> -> memref<128xi32, #tpu.memory_space<vmem>>
      %dma_start3A_101 = arith.constant 0 : i32
      %dma_start3A_102 = arith.constant 0 : i32
      %dma_start3A_103 = tpu.memref_slice %arg4[%dma_start3A_101, %dma_start3A_102] : memref<10112x128xf32, #tpu.memory_space<hbm>> -> memref<10112x128xf32, #tpu.memory_space<hbm>>
      tpu.enqueue_indirect_dma source(%dma_start3A_103 : memref<10112x128xf32, #tpu.memory_space<hbm>>) target(%dma_start3A_97 : memref<128x128xf32, #tpu.memory_space<vmem>>) offsets(%dma_start3A_100 : memref<128xi32, #tpu.memory_space<vmem>>) semaphore(%arg12 : memref<!tpu.dma_semaphore, #tpu.memory_space<semaphore_mem>>)
      %dma_wait3A_104 = arith.constant 2 : i32
      %dma_wait3A_105 = arith.constant 0 : i32
      %dma_wait3A_106 = arith.constant 0 : i32
      %dma_wait3A_107 = arith.constant 0 : i32
      %dma_wait3A_108 = tpu.memref_slice %arg10[%dma_wait3A_105, %dma_wait3A_106, %dma_wait3A_107] : memref<2x128x128xf32, #tpu.memory_space<vmem>> -> memref<1x128x128xf32, #tpu.memory_space<vmem>>
      %dma_wait3A_109 = tpu.memref_squeeze %dma_wait3A_108 : memref<1x128x128xf32, #tpu.memory_space<vmem>> -> memref<128x128xf32, #tpu.memory_space<vmem>>
      %dma_wait3A_110 = arith.constant 0 : i32
      %dma_wait3A_111 = tpu.memref_slice %arg8[%dma_wait3A_104, %dma_wait3A_110] : memref<8x128xi32, #tpu.memory_space<vmem>> -> memref<1x128xi32, #tpu.memory_space<vmem>>
      %dma_wait3A_112 = tpu.memref_squeeze %dma_wait3A_111 : memref<1x128xi32, #tpu.memory_space<vmem>> -> memref<128xi32, #tpu.memory_space<vmem>>
      %dma_wait3A_113 = arith.constant 0 : i32
      %dma_wait3A_114 = arith.constant 0 : i32
      %dma_wait3A_115 = tpu.memref_slice %arg4[%dma_wait3A_113, %dma_wait3A_114] : memref<10112x128xf32, #tpu.memory_space<hbm>> -> memref<10112x128xf32, #tpu.memory_space<hbm>>
      tpu.wait_indirect_dma semaphore(%arg11 : memref<!tpu.dma_semaphore, #tpu.memory_space<semaphore_mem>>) src(%dma_wait3A_115 : memref<10112x128xf32, #tpu.memory_space<hbm>>) dst(%dma_wait3A_109 : memref<128x128xf32, #tpu.memory_space<vmem>>)
      %run_scoped3A_116 = arith.constant 0 : i32
      %run_scoped3A_117 = arith.constant 2 : i32
      "tpu.region"() ({
        %run_scoped3A_236 = tpu.sem_alloc : memref<!tpu.dma_semaphore, #tpu.memory_space<semaphore_mem>>
        %dma_start3A_237 = arith.constant 0 : i32
        %dma_start3A_238 = arith.constant 0 : i32
        %dma_start3A_239 = tpu.memref_slice %arg10[%run_scoped3A_116, %dma_start3A_237, %dma_start3A_238] : memref<2x128x128xf32, #tpu.memory_space<vmem>> -> memref<1x128x128xf32, #tpu.memory_space<vmem>>
        %dma_start3A_240 = tpu.memref_squeeze %dma_start3A_239 : memref<1x128x128xf32, #tpu.memory_space<vmem>> -> memref<128x128xf32, #tpu.memory_space<vmem>>
        %dma_start3A_241 = arith.constant 0 : i32
        %dma_start3A_242 = tpu.memref_slice %arg9[%run_scoped3A_117, %dma_start3A_241] : memref<8x128xi32, #tpu.memory_space<vmem>> -> memref<1x128xi32, #tpu.memory_space<vmem>>
        %dma_start3A_243 = tpu.memref_squeeze %dma_start3A_242 : memref<1x128xi32, #tpu.memory_space<vmem>> -> memref<128xi32, #tpu.memory_space<vmem>>
        %dma_start3A_244 = arith.constant 0 : i32
        %dma_start3A_245 = arith.constant 0 : i32
        %dma_start3A_246 = tpu.memref_slice %arg7[%dma_start3A_244, %dma_start3A_245] : memref<10112x128xf32, #tpu.memory_space<vmem_shared>> -> memref<10112x128xf32, #tpu.memory_space<vmem_shared>>
        tpu.enqueue_indirect_dma source(%dma_start3A_240 : memref<128x128xf32, #tpu.memory_space<vmem>>) target(%dma_start3A_246 : memref<10112x128xf32, #tpu.memory_space<vmem_shared>>) offsets(%dma_start3A_243 : memref<128xi32, #tpu.memory_space<vmem>>) semaphore(%run_scoped3A_236 : memref<!tpu.dma_semaphore, #tpu.memory_space<semaphore_mem>>) {add = true}
        %dma_wait3A_247 = arith.constant 0 : i32
        %dma_wait3A_248 = arith.constant 0 : i32
        %dma_wait3A_249 = tpu.memref_slice %arg10[%run_scoped3A_116, %dma_wait3A_247, %dma_wait3A_248] : memref<2x128x128xf32, #tpu.memory_space<vmem>> -> memref<1x128x128xf32, #tpu.memory_space<vmem>>
        %dma_wait3A_250 = tpu.memref_squeeze %dma_wait3A_249 : memref<1x128x128xf32, #tpu.memory_space<vmem>> -> memref<128x128xf32, #tpu.memory_space<vmem>>
        %dma_wait3A_251 = arith.constant 0 : i32
        %dma_wait3A_252 = tpu.memref_slice %arg9[%run_scoped3A_117, %dma_wait3A_251] : memref<8x128xi32, #tpu.memory_space<vmem>> -> memref<1x128xi32, #tpu.memory_space<vmem>>
        %dma_wait3A_253 = tpu.memref_squeeze %dma_wait3A_252 : memref<1x128xi32, #tpu.memory_space<vmem>> -> memref<128xi32, #tpu.memory_space<vmem>>
        %dma_wait3A_254 = arith.constant 0 : i32
        %dma_wait3A_255 = arith.constant 0 : i32
        %dma_wait3A_256 = tpu.memref_slice %arg7[%dma_wait3A_254, %dma_wait3A_255] : memref<10112x128xf32, #tpu.memory_space<vmem_shared>> -> memref<10112x128xf32, #tpu.memory_space<vmem_shared>>
        tpu.wait_indirect_dma semaphore(%run_scoped3A_236 : memref<!tpu.dma_semaphore, #tpu.memory_space<semaphore_mem>>) src(%dma_wait3A_250 : memref<128x128xf32, #tpu.memory_space<vmem>>) dst(%dma_wait3A_256 : memref<10112x128xf32, #tpu.memory_space<vmem_shared>>)
        tpu.yield
      }) : () -> ()
      %dma_start3A_118 = arith.constant 4 : i32
      %dma_start3A_119 = arith.constant 0 : i32
      %dma_start3A_120 = arith.constant 0 : i32
      %dma_start3A_121 = arith.constant 0 : i32
      %dma_start3A_122 = tpu.memref_slice %arg10[%dma_start3A_119, %dma_start3A_120, %dma_start3A_121] : memref<2x128x128xf32, #tpu.memory_space<vmem>> -> memref<1x128x128xf32, #tpu.memory_space<vmem>>
      %dma_start3A_123 = tpu.memref_squeeze %dma_start3A_122 : memref<1x128x128xf32, #tpu.memory_space<vmem>> -> memref<128x128xf32, #tpu.memory_space<vmem>>
      %dma_start3A_124 = arith.constant 0 : i32
      %dma_start3A_125 = tpu.memref_slice %arg8[%dma_start3A_118, %dma_start3A_124] : memref<8x128xi32, #tpu.memory_space<vmem>> -> memref<1x128xi32, #tpu.memory_space<vmem>>
      %dma_start3A_126 = tpu.memref_squeeze %dma_start3A_125 : memref<1x128xi32, #tpu.memory_space<vmem>> -> memref<128xi32, #tpu.memory_space<vmem>>
      %dma_start3A_127 = arith.constant 0 : i32
      %dma_start3A_128 = arith.constant 0 : i32
      %dma_start3A_129 = tpu.memref_slice %arg4[%dma_start3A_127, %dma_start3A_128] : memref<10112x128xf32, #tpu.memory_space<hbm>> -> memref<10112x128xf32, #tpu.memory_space<hbm>>
      tpu.enqueue_indirect_dma source(%dma_start3A_129 : memref<10112x128xf32, #tpu.memory_space<hbm>>) target(%dma_start3A_123 : memref<128x128xf32, #tpu.memory_space<vmem>>) offsets(%dma_start3A_126 : memref<128xi32, #tpu.memory_space<vmem>>) semaphore(%arg11 : memref<!tpu.dma_semaphore, #tpu.memory_space<semaphore_mem>>)
      %dma_wait3A_130 = arith.constant 3 : i32
      %dma_wait3A_131 = arith.constant 1 : i32
      %dma_wait3A_132 = arith.constant 0 : i32
      %dma_wait3A_133 = arith.constant 0 : i32
      %dma_wait3A_134 = tpu.memref_slice %arg10[%dma_wait3A_131, %dma_wait3A_132, %dma_wait3A_133] : memref<2x128x128xf32, #tpu.memory_space<vmem>> -> memref<1x128x128xf32, #tpu.memory_space<vmem>>
      %dma_wait3A_135 = tpu.memref_squeeze %dma_wait3A_134 : memref<1x128x128xf32, #tpu.memory_space<vmem>> -> memref<128x128xf32, #tpu.memory_space<vmem>>
      %dma_wait3A_136 = arith.constant 0 : i32
      %dma_wait3A_137 = tpu.memref_slice %arg8[%dma_wait3A_130, %dma_wait3A_136] : memref<8x128xi32, #tpu.memory_space<vmem>> -> memref<1x128xi32, #tpu.memory_space<vmem>>
      %dma_wait3A_138 = tpu.memref_squeeze %dma_wait3A_137 : memref<1x128xi32, #tpu.memory_space<vmem>> -> memref<128xi32, #tpu.memory_space<vmem>>
      %dma_wait3A_139 = arith.constant 0 : i32
      %dma_wait3A_140 = arith.constant 0 : i32
      %dma_wait3A_141 = tpu.memref_slice %arg4[%dma_wait3A_139, %dma_wait3A_140] : memref<10112x128xf32, #tpu.memory_space<hbm>> -> memref<10112x128xf32, #tpu.memory_space<hbm>>
      tpu.wait_indirect_dma semaphore(%arg12 : memref<!tpu.dma_semaphore, #tpu.memory_space<semaphore_mem>>) src(%dma_wait3A_141 : memref<10112x128xf32, #tpu.memory_space<hbm>>) dst(%dma_wait3A_135 : memref<128x128xf32, #tpu.memory_space<vmem>>)
      %run_scoped3A_142 = arith.constant 1 : i32
      %run_scoped3A_143 = arith.constant 3 : i32
      "tpu.region"() ({
        %run_scoped3A_236 = tpu.sem_alloc : memref<!tpu.dma_semaphore, #tpu.memory_space<semaphore_mem>>
        %dma_start3A_237 = arith.constant 0 : i32
        %dma_start3A_238 = arith.constant 0 : i32
        %dma_start3A_239 = tpu.memref_slice %arg10[%run_scoped3A_142, %dma_start3A_237, %dma_start3A_238] : memref<2x128x128xf32, #tpu.memory_space<vmem>> -> memref<1x128x128xf32, #tpu.memory_space<vmem>>
        %dma_start3A_240 = tpu.memref_squeeze %dma_start3A_239 : memref<1x128x128xf32, #tpu.memory_space<vmem>> -> memref<128x128xf32, #tpu.memory_space<vmem>>
        %dma_start3A_241 = arith.constant 0 : i32
        %dma_start3A_242 = tpu.memref_slice %arg9[%run_scoped3A_143, %dma_start3A_241] : memref<8x128xi32, #tpu.memory_space<vmem>> -> memref<1x128xi32, #tpu.memory_space<vmem>>
        %dma_start3A_243 = tpu.memref_squeeze %dma_start3A_242 : memref<1x128xi32, #tpu.memory_space<vmem>> -> memref<128xi32, #tpu.memory_space<vmem>>
        %dma_start3A_244 = arith.constant 0 : i32
        %dma_start3A_245 = arith.constant 0 : i32
        %dma_start3A_246 = tpu.memref_slice %arg7[%dma_start3A_244, %dma_start3A_245] : memref<10112x128xf32, #tpu.memory_space<vmem_shared>> -> memref<10112x128xf32, #tpu.memory_space<vmem_shared>>
        tpu.enqueue_indirect_dma source(%dma_start3A_240 : memref<128x128xf32, #tpu.memory_space<vmem>>) target(%dma_start3A_246 : memref<10112x128xf32, #tpu.memory_space<vmem_shared>>) offsets(%dma_start3A_243 : memref<128xi32, #tpu.memory_space<vmem>>) semaphore(%run_scoped3A_236 : memref<!tpu.dma_semaphore, #tpu.memory_space<semaphore_mem>>) {add = true}
        %dma_wait3A_247 = arith.constant 0 : i32
        %dma_wait3A_248 = arith.constant 0 : i32
        %dma_wait3A_249 = tpu.memref_slice %arg10[%run_scoped3A_142, %dma_wait3A_247, %dma_wait3A_248] : memref<2x128x128xf32, #tpu.memory_space<vmem>> -> memref<1x128x128xf32, #tpu.memory_space<vmem>>
        %dma_wait3A_250 = tpu.memref_squeeze %dma_wait3A_249 : memref<1x128x128xf32, #tpu.memory_space<vmem>> -> memref<128x128xf32, #tpu.memory_space<vmem>>
        %dma_wait3A_251 = arith.constant 0 : i32
        %dma_wait3A_252 = tpu.memref_slice %arg9[%run_scoped3A_143, %dma_wait3A_251] : memref<8x128xi32, #tpu.memory_space<vmem>> -> memref<1x128xi32, #tpu.memory_space<vmem>>
        %dma_wait3A_253 = tpu.memref_squeeze %dma_wait3A_252 : memref<1x128xi32, #tpu.memory_space<vmem>> -> memref<128xi32, #tpu.memory_space<vmem>>
        %dma_wait3A_254 = arith.constant 0 : i32
        %dma_wait3A_255 = arith.constant 0 : i32
        %dma_wait3A_256 = tpu.memref_slice %arg7[%dma_wait3A_254, %dma_wait3A_255] : memref<10112x128xf32, #tpu.memory_space<vmem_shared>> -> memref<10112x128xf32, #tpu.memory_space<vmem_shared>>
        tpu.wait_indirect_dma semaphore(%run_scoped3A_236 : memref<!tpu.dma_semaphore, #tpu.memory_space<semaphore_mem>>) src(%dma_wait3A_250 : memref<128x128xf32, #tpu.memory_space<vmem>>) dst(%dma_wait3A_256 : memref<10112x128xf32, #tpu.memory_space<vmem_shared>>)
        tpu.yield
      }) : () -> ()
      %dma_start3A_144 = arith.constant 5 : i32
      %dma_start3A_145 = arith.constant 1 : i32
      %dma_start3A_146 = arith.constant 0 : i32
      %dma_start3A_147 = arith.constant 0 : i32
      %dma_start3A_148 = tpu.memref_slice %arg10[%dma_start3A_145, %dma_start3A_146, %dma_start3A_147] : memref<2x128x128xf32, #tpu.memory_space<vmem>> -> memref<1x128x128xf32, #tpu.memory_space<vmem>>
      %dma_start3A_149 = tpu.memref_squeeze %dma_start3A_148 : memref<1x128x128xf32, #tpu.memory_space<vmem>> -> memref<128x128xf32, #tpu.memory_space<vmem>>
      %dma_start3A_150 = arith.constant 0 : i32
      %dma_start3A_151 = tpu.memref_slice %arg8[%dma_start3A_144, %dma_start3A_150] : memref<8x128xi32, #tpu.memory_space<vmem>> -> memref<1x128xi32, #tpu.memory_space<vmem>>
      %dma_start3A_152 = tpu.memref_squeeze %dma_start3A_151 : memref<1x128xi32, #tpu.memory_space<vmem>> -> memref<128xi32, #tpu.memory_space<vmem>>
      %dma_start3A_153 = arith.constant 0 : i32
      %dma_start3A_154 = arith.constant 0 : i32
      %dma_start3A_155 = tpu.memref_slice %arg4[%dma_start3A_153, %dma_start3A_154] : memref<10112x128xf32, #tpu.memory_space<hbm>> -> memref<10112x128xf32, #tpu.memory_space<hbm>>
      tpu.enqueue_indirect_dma source(%dma_start3A_155 : memref<10112x128xf32, #tpu.memory_space<hbm>>) target(%dma_start3A_149 : memref<128x128xf32, #tpu.memory_space<vmem>>) offsets(%dma_start3A_152 : memref<128xi32, #tpu.memory_space<vmem>>) semaphore(%arg12 : memref<!tpu.dma_semaphore, #tpu.memory_space<semaphore_mem>>)
      %dma_wait3A_156 = arith.constant 4 : i32
      %dma_wait3A_157 = arith.constant 0 : i32
      %dma_wait3A_158 = arith.constant 0 : i32
      %dma_wait3A_159 = arith.constant 0 : i32
      %dma_wait3A_160 = tpu.memref_slice %arg10[%dma_wait3A_157, %dma_wait3A_158, %dma_wait3A_159] : memref<2x128x128xf32, #tpu.memory_space<vmem>> -> memref<1x128x128xf32, #tpu.memory_space<vmem>>
      %dma_wait3A_161 = tpu.memref_squeeze %dma_wait3A_160 : memref<1x128x128xf32, #tpu.memory_space<vmem>> -> memref<128x128xf32, #tpu.memory_space<vmem>>
      %dma_wait3A_162 = arith.constant 0 : i32
      %dma_wait3A_163 = tpu.memref_slice %arg8[%dma_wait3A_156, %dma_wait3A_162] : memref<8x128xi32, #tpu.memory_space<vmem>> -> memref<1x128xi32, #tpu.memory_space<vmem>>
      %dma_wait3A_164 = tpu.memref_squeeze %dma_wait3A_163 : memref<1x128xi32, #tpu.memory_space<vmem>> -> memref<128xi32, #tpu.memory_space<vmem>>
      %dma_wait3A_165 = arith.constant 0 : i32
      %dma_wait3A_166 = arith.constant 0 : i32
      %dma_wait3A_167 = tpu.memref_slice %arg4[%dma_wait3A_165, %dma_wait3A_166] : memref<10112x128xf32, #tpu.memory_space<hbm>> -> memref<10112x128xf32, #tpu.memory_space<hbm>>
      tpu.wait_indirect_dma semaphore(%arg11 : memref<!tpu.dma_semaphore, #tpu.memory_space<semaphore_mem>>) src(%dma_wait3A_167 : memref<10112x128xf32, #tpu.memory_space<hbm>>) dst(%dma_wait3A_161 : memref<128x128xf32, #tpu.memory_space<vmem>>)
      %run_scoped3A_168 = arith.constant 0 : i32
      %run_scoped3A_169 = arith.constant 4 : i32
      "tpu.region"() ({
        %run_scoped3A_236 = tpu.sem_alloc : memref<!tpu.dma_semaphore, #tpu.memory_space<semaphore_mem>>
        %dma_start3A_237 = arith.constant 0 : i32
        %dma_start3A_238 = arith.constant 0 : i32
        %dma_start3A_239 = tpu.memref_slice %arg10[%run_scoped3A_168, %dma_start3A_237, %dma_start3A_238] : memref<2x128x128xf32, #tpu.memory_space<vmem>> -> memref<1x128x128xf32, #tpu.memory_space<vmem>>
        %dma_start3A_240 = tpu.memref_squeeze %dma_start3A_239 : memref<1x128x128xf32, #tpu.memory_space<vmem>> -> memref<128x128xf32, #tpu.memory_space<vmem>>
        %dma_start3A_241 = arith.constant 0 : i32
        %dma_start3A_242 = tpu.memref_slice %arg9[%run_scoped3A_169, %dma_start3A_241] : memref<8x128xi32, #tpu.memory_space<vmem>> -> memref<1x128xi32, #tpu.memory_space<vmem>>
        %dma_start3A_243 = tpu.memref_squeeze %dma_start3A_242 : memref<1x128xi32, #tpu.memory_space<vmem>> -> memref<128xi32, #tpu.memory_space<vmem>>
        %dma_start3A_244 = arith.constant 0 : i32
        %dma_start3A_245 = arith.constant 0 : i32
        %dma_start3A_246 = tpu.memref_slice %arg7[%dma_start3A_244, %dma_start3A_245] : memref<10112x128xf32, #tpu.memory_space<vmem_shared>> -> memref<10112x128xf32, #tpu.memory_space<vmem_shared>>
        tpu.enqueue_indirect_dma source(%dma_start3A_240 : memref<128x128xf32, #tpu.memory_space<vmem>>) target(%dma_start3A_246 : memref<10112x128xf32, #tpu.memory_space<vmem_shared>>) offsets(%dma_start3A_243 : memref<128xi32, #tpu.memory_space<vmem>>) semaphore(%run_scoped3A_236 : memref<!tpu.dma_semaphore, #tpu.memory_space<semaphore_mem>>) {add = true}
        %dma_wait3A_247 = arith.constant 0 : i32
        %dma_wait3A_248 = arith.constant 0 : i32
        %dma_wait3A_249 = tpu.memref_slice %arg10[%run_scoped3A_168, %dma_wait3A_247, %dma_wait3A_248] : memref<2x128x128xf32, #tpu.memory_space<vmem>> -> memref<1x128x128xf32, #tpu.memory_space<vmem>>
        %dma_wait3A_250 = tpu.memref_squeeze %dma_wait3A_249 : memref<1x128x128xf32, #tpu.memory_space<vmem>> -> memref<128x128xf32, #tpu.memory_space<vmem>>
        %dma_wait3A_251 = arith.constant 0 : i32
        %dma_wait3A_252 = tpu.memref_slice %arg9[%run_scoped3A_169, %dma_wait3A_251] : memref<8x128xi32, #tpu.memory_space<vmem>> -> memref<1x128xi32, #tpu.memory_space<vmem>>
        %dma_wait3A_253 = tpu.memref_squeeze %dma_wait3A_252 : memref<1x128xi32, #tpu.memory_space<vmem>> -> memref<128xi32, #tpu.memory_space<vmem>>
        %dma_wait3A_254 = arith.constant 0 : i32
        %dma_wait3A_255 = arith.constant 0 : i32
        %dma_wait3A_256 = tpu.memref_slice %arg7[%dma_wait3A_254, %dma_wait3A_255] : memref<10112x128xf32, #tpu.memory_space<vmem_shared>> -> memref<10112x128xf32, #tpu.memory_space<vmem_shared>>
        tpu.wait_indirect_dma semaphore(%run_scoped3A_236 : memref<!tpu.dma_semaphore, #tpu.memory_space<semaphore_mem>>) src(%dma_wait3A_250 : memref<128x128xf32, #tpu.memory_space<vmem>>) dst(%dma_wait3A_256 : memref<10112x128xf32, #tpu.memory_space<vmem_shared>>)
        tpu.yield
      }) : () -> ()
      %dma_start3A_170 = arith.constant 6 : i32
      %dma_start3A_171 = arith.constant 0 : i32
      %dma_start3A_172 = arith.constant 0 : i32
      %dma_start3A_173 = arith.constant 0 : i32
      %dma_start3A_174 = tpu.memref_slice %arg10[%dma_start3A_171, %dma_start3A_172, %dma_start3A_173] : memref<2x128x128xf32, #tpu.memory_space<vmem>> -> memref<1x128x128xf32, #tpu.memory_space<vmem>>
      %dma_start3A_175 = tpu.memref_squeeze %dma_start3A_174 : memref<1x128x128xf32, #tpu.memory_space<vmem>> -> memref<128x128xf32, #tpu.memory_space<vmem>>
      %dma_start3A_176 = arith.constant 0 : i32
      %dma_start3A_177 = tpu.memref_slice %arg8[%dma_start3A_170, %dma_start3A_176] : memref<8x128xi32, #tpu.memory_space<vmem>> -> memref<1x128xi32, #tpu.memory_space<vmem>>
      %dma_start3A_178 = tpu.memref_squeeze %dma_start3A_177 : memref<1x128xi32, #tpu.memory_space<vmem>> -> memref<128xi32, #tpu.memory_space<vmem>>
      %dma_start3A_179 = arith.constant 0 : i32
      %dma_start3A_180 = arith.constant 0 : i32
      %dma_start3A_181 = tpu.memref_slice %arg4[%dma_start3A_179, %dma_start3A_180] : memref<10112x128xf32, #tpu.memory_space<hbm>> -> memref<10112x128xf32, #tpu.memory_space<hbm>>
      tpu.enqueue_indirect_dma source(%dma_start3A_181 : memref<10112x128xf32, #tpu.memory_space<hbm>>) target(%dma_start3A_175 : memref<128x128xf32, #tpu.memory_space<vmem>>) offsets(%dma_start3A_178 : memref<128xi32, #tpu.memory_space<vmem>>) semaphore(%arg11 : memref<!tpu.dma_semaphore, #tpu.memory_space<semaphore_mem>>)
      %dma_wait3A_182 = arith.constant 5 : i32
      %dma_wait3A_183 = arith.constant 1 : i32
      %dma_wait3A_184 = arith.constant 0 : i32
      %dma_wait3A_185 = arith.constant 0 : i32
      %dma_wait3A_186 = tpu.memref_slice %arg10[%dma_wait3A_183, %dma_wait3A_184, %dma_wait3A_185] : memref<2x128x128xf32, #tpu.memory_space<vmem>> -> memref<1x128x128xf32, #tpu.memory_space<vmem>>
      %dma_wait3A_187 = tpu.memref_squeeze %dma_wait3A_186 : memref<1x128x128xf32, #tpu.memory_space<vmem>> -> memref<128x128xf32, #tpu.memory_space<vmem>>
      %dma_wait3A_188 = arith.constant 0 : i32
      %dma_wait3A_189 = tpu.memref_slice %arg8[%dma_wait3A_182, %dma_wait3A_188] : memref<8x128xi32, #tpu.memory_space<vmem>> -> memref<1x128xi32, #tpu.memory_space<vmem>>
      %dma_wait3A_190 = tpu.memref_squeeze %dma_wait3A_189 : memref<1x128xi32, #tpu.memory_space<vmem>> -> memref<128xi32, #tpu.memory_space<vmem>>
      %dma_wait3A_191 = arith.constant 0 : i32
      %dma_wait3A_192 = arith.constant 0 : i32
      %dma_wait3A_193 = tpu.memref_slice %arg4[%dma_wait3A_191, %dma_wait3A_192] : memref<10112x128xf32, #tpu.memory_space<hbm>> -> memref<10112x128xf32, #tpu.memory_space<hbm>>
      tpu.wait_indirect_dma semaphore(%arg12 : memref<!tpu.dma_semaphore, #tpu.memory_space<semaphore_mem>>) src(%dma_wait3A_193 : memref<10112x128xf32, #tpu.memory_space<hbm>>) dst(%dma_wait3A_187 : memref<128x128xf32, #tpu.memory_space<vmem>>)
      %run_scoped3A_194 = arith.constant 1 : i32
      %run_scoped3A_195 = arith.constant 5 : i32
      "tpu.region"() ({
        %run_scoped3A_236 = tpu.sem_alloc : memref<!tpu.dma_semaphore, #tpu.memory_space<semaphore_mem>>
        %dma_start3A_237 = arith.constant 0 : i32
        %dma_start3A_238 = arith.constant 0 : i32
        %dma_start3A_239 = tpu.memref_slice %arg10[%run_scoped3A_194, %dma_start3A_237, %dma_start3A_238] : memref<2x128x128xf32, #tpu.memory_space<vmem>> -> memref<1x128x128xf32, #tpu.memory_space<vmem>>
        %dma_start3A_240 = tpu.memref_squeeze %dma_start3A_239 : memref<1x128x128xf32, #tpu.memory_space<vmem>> -> memref<128x128xf32, #tpu.memory_space<vmem>>
        %dma_start3A_241 = arith.constant 0 : i32
        %dma_start3A_242 = tpu.memref_slice %arg9[%run_scoped3A_195, %dma_start3A_241] : memref<8x128xi32, #tpu.memory_space<vmem>> -> memref<1x128xi32, #tpu.memory_space<vmem>>
        %dma_start3A_243 = tpu.memref_squeeze %dma_start3A_242 : memref<1x128xi32, #tpu.memory_space<vmem>> -> memref<128xi32, #tpu.memory_space<vmem>>
        %dma_start3A_244 = arith.constant 0 : i32
        %dma_start3A_245 = arith.constant 0 : i32
        %dma_start3A_246 = tpu.memref_slice %arg7[%dma_start3A_244, %dma_start3A_245] : memref<10112x128xf32, #tpu.memory_space<vmem_shared>> -> memref<10112x128xf32, #tpu.memory_space<vmem_shared>>
        tpu.enqueue_indirect_dma source(%dma_start3A_240 : memref<128x128xf32, #tpu.memory_space<vmem>>) target(%dma_start3A_246 : memref<10112x128xf32, #tpu.memory_space<vmem_shared>>) offsets(%dma_start3A_243 : memref<128xi32, #tpu.memory_space<vmem>>) semaphore(%run_scoped3A_236 : memref<!tpu.dma_semaphore, #tpu.memory_space<semaphore_mem>>) {add = true}
        %dma_wait3A_247 = arith.constant 0 : i32
        %dma_wait3A_248 = arith.constant 0 : i32
        %dma_wait3A_249 = tpu.memref_slice %arg10[%run_scoped3A_194, %dma_wait3A_247, %dma_wait3A_248] : memref<2x128x128xf32, #tpu.memory_space<vmem>> -> memref<1x128x128xf32, #tpu.memory_space<vmem>>
        %dma_wait3A_250 = tpu.memref_squeeze %dma_wait3A_249 : memref<1x128x128xf32, #tpu.memory_space<vmem>> -> memref<128x128xf32, #tpu.memory_space<vmem>>
        %dma_wait3A_251 = arith.constant 0 : i32
        %dma_wait3A_252 = tpu.memref_slice %arg9[%run_scoped3A_195, %dma_wait3A_251] : memref<8x128xi32, #tpu.memory_space<vmem>> -> memref<1x128xi32, #tpu.memory_space<vmem>>
        %dma_wait3A_253 = tpu.memref_squeeze %dma_wait3A_252 : memref<1x128xi32, #tpu.memory_space<vmem>> -> memref<128xi32, #tpu.memory_space<vmem>>
        %dma_wait3A_254 = arith.constant 0 : i32
        %dma_wait3A_255 = arith.constant 0 : i32
        %dma_wait3A_256 = tpu.memref_slice %arg7[%dma_wait3A_254, %dma_wait3A_255] : memref<10112x128xf32, #tpu.memory_space<vmem_shared>> -> memref<10112x128xf32, #tpu.memory_space<vmem_shared>>
        tpu.wait_indirect_dma semaphore(%run_scoped3A_236 : memref<!tpu.dma_semaphore, #tpu.memory_space<semaphore_mem>>) src(%dma_wait3A_250 : memref<128x128xf32, #tpu.memory_space<vmem>>) dst(%dma_wait3A_256 : memref<10112x128xf32, #tpu.memory_space<vmem_shared>>)
        tpu.yield
      }) : () -> ()
      %dma_start3A_196 = arith.constant 7 : i32
      %dma_start3A_197 = arith.constant 1 : i32
      %dma_start3A_198 = arith.constant 0 : i32
      %dma_start3A_199 = arith.constant 0 : i32
      %dma_start3A_200 = tpu.memref_slice %arg10[%dma_start3A_197, %dma_start3A_198, %dma_start3A_199] : memref<2x128x128xf32, #tpu.memory_space<vmem>> -> memref<1x128x128xf32, #tpu.memory_space<vmem>>
      %dma_start3A_201 = tpu.memref_squeeze %dma_start3A_200 : memref<1x128x128xf32, #tpu.memory_space<vmem>> -> memref<128x128xf32, #tpu.memory_space<vmem>>
      %dma_start3A_202 = arith.constant 0 : i32
      %dma_start3A_203 = tpu.memref_slice %arg8[%dma_start3A_196, %dma_start3A_202] : memref<8x128xi32, #tpu.memory_space<vmem>> -> memref<1x128xi32, #tpu.memory_space<vmem>>
      %dma_start3A_204 = tpu.memref_squeeze %dma_start3A_203 : memref<1x128xi32, #tpu.memory_space<vmem>> -> memref<128xi32, #tpu.memory_space<vmem>>
      %dma_start3A_205 = arith.constant 0 : i32
      %dma_start3A_206 = arith.constant 0 : i32
      %dma_start3A_207 = tpu.memref_slice %arg4[%dma_start3A_205, %dma_start3A_206] : memref<10112x128xf32, #tpu.memory_space<hbm>> -> memref<10112x128xf32, #tpu.memory_space<hbm>>
      tpu.enqueue_indirect_dma source(%dma_start3A_207 : memref<10112x128xf32, #tpu.memory_space<hbm>>) target(%dma_start3A_201 : memref<128x128xf32, #tpu.memory_space<vmem>>) offsets(%dma_start3A_204 : memref<128xi32, #tpu.memory_space<vmem>>) semaphore(%arg12 : memref<!tpu.dma_semaphore, #tpu.memory_space<semaphore_mem>>)
      %dma_wait3A_208 = arith.constant 6 : i32
      %dma_wait3A_209 = arith.constant 0 : i32
      %dma_wait3A_210 = arith.constant 0 : i32
      %dma_wait3A_211 = arith.constant 0 : i32
      %dma_wait3A_212 = tpu.memref_slice %arg10[%dma_wait3A_209, %dma_wait3A_210, %dma_wait3A_211] : memref<2x128x128xf32, #tpu.memory_space<vmem>> -> memref<1x128x128xf32, #tpu.memory_space<vmem>>
      %dma_wait3A_213 = tpu.memref_squeeze %dma_wait3A_212 : memref<1x128x128xf32, #tpu.memory_space<vmem>> -> memref<128x128xf32, #tpu.memory_space<vmem>>
      %dma_wait3A_214 = arith.constant 0 : i32
      %dma_wait3A_215 = tpu.memref_slice %arg8[%dma_wait3A_208, %dma_wait3A_214] : memref<8x128xi32, #tpu.memory_space<vmem>> -> memref<1x128xi32, #tpu.memory_space<vmem>>
      %dma_wait3A_216 = tpu.memref_squeeze %dma_wait3A_215 : memref<1x128xi32, #tpu.memory_space<vmem>> -> memref<128xi32, #tpu.memory_space<vmem>>
      %dma_wait3A_217 = arith.constant 0 : i32
      %dma_wait3A_218 = arith.constant 0 : i32
      %dma_wait3A_219 = tpu.memref_slice %arg4[%dma_wait3A_217, %dma_wait3A_218] : memref<10112x128xf32, #tpu.memory_space<hbm>> -> memref<10112x128xf32, #tpu.memory_space<hbm>>
      tpu.wait_indirect_dma semaphore(%arg11 : memref<!tpu.dma_semaphore, #tpu.memory_space<semaphore_mem>>) src(%dma_wait3A_219 : memref<10112x128xf32, #tpu.memory_space<hbm>>) dst(%dma_wait3A_213 : memref<128x128xf32, #tpu.memory_space<vmem>>)
      %run_scoped3A_220 = arith.constant 0 : i32
      %run_scoped3A_221 = arith.constant 6 : i32
      "tpu.region"() ({
        %run_scoped3A_236 = tpu.sem_alloc : memref<!tpu.dma_semaphore, #tpu.memory_space<semaphore_mem>>
        %dma_start3A_237 = arith.constant 0 : i32
        %dma_start3A_238 = arith.constant 0 : i32
        %dma_start3A_239 = tpu.memref_slice %arg10[%run_scoped3A_220, %dma_start3A_237, %dma_start3A_238] : memref<2x128x128xf32, #tpu.memory_space<vmem>> -> memref<1x128x128xf32, #tpu.memory_space<vmem>>
        %dma_start3A_240 = tpu.memref_squeeze %dma_start3A_239 : memref<1x128x128xf32, #tpu.memory_space<vmem>> -> memref<128x128xf32, #tpu.memory_space<vmem>>
        %dma_start3A_241 = arith.constant 0 : i32
        %dma_start3A_242 = tpu.memref_slice %arg9[%run_scoped3A_221, %dma_start3A_241] : memref<8x128xi32, #tpu.memory_space<vmem>> -> memref<1x128xi32, #tpu.memory_space<vmem>>
        %dma_start3A_243 = tpu.memref_squeeze %dma_start3A_242 : memref<1x128xi32, #tpu.memory_space<vmem>> -> memref<128xi32, #tpu.memory_space<vmem>>
        %dma_start3A_244 = arith.constant 0 : i32
        %dma_start3A_245 = arith.constant 0 : i32
        %dma_start3A_246 = tpu.memref_slice %arg7[%dma_start3A_244, %dma_start3A_245] : memref<10112x128xf32, #tpu.memory_space<vmem_shared>> -> memref<10112x128xf32, #tpu.memory_space<vmem_shared>>
        tpu.enqueue_indirect_dma source(%dma_start3A_240 : memref<128x128xf32, #tpu.memory_space<vmem>>) target(%dma_start3A_246 : memref<10112x128xf32, #tpu.memory_space<vmem_shared>>) offsets(%dma_start3A_243 : memref<128xi32, #tpu.memory_space<vmem>>) semaphore(%run_scoped3A_236 : memref<!tpu.dma_semaphore, #tpu.memory_space<semaphore_mem>>) {add = true}
        %dma_wait3A_247 = arith.constant 0 : i32
        %dma_wait3A_248 = arith.constant 0 : i32
        %dma_wait3A_249 = tpu.memref_slice %arg10[%run_scoped3A_220, %dma_wait3A_247, %dma_wait3A_248] : memref<2x128x128xf32, #tpu.memory_space<vmem>> -> memref<1x128x128xf32, #tpu.memory_space<vmem>>
        %dma_wait3A_250 = tpu.memref_squeeze %dma_wait3A_249 : memref<1x128x128xf32, #tpu.memory_space<vmem>> -> memref<128x128xf32, #tpu.memory_space<vmem>>
        %dma_wait3A_251 = arith.constant 0 : i32
        %dma_wait3A_252 = tpu.memref_slice %arg9[%run_scoped3A_221, %dma_wait3A_251] : memref<8x128xi32, #tpu.memory_space<vmem>> -> memref<1x128xi32, #tpu.memory_space<vmem>>
        %dma_wait3A_253 = tpu.memref_squeeze %dma_wait3A_252 : memref<1x128xi32, #tpu.memory_space<vmem>> -> memref<128xi32, #tpu.memory_space<vmem>>
        %dma_wait3A_254 = arith.constant 0 : i32
        %dma_wait3A_255 = arith.constant 0 : i32
        %dma_wait3A_256 = tpu.memref_slice %arg7[%dma_wait3A_254, %dma_wait3A_255] : memref<10112x128xf32, #tpu.memory_space<vmem_shared>> -> memref<10112x128xf32, #tpu.memory_space<vmem_shared>>
        tpu.wait_indirect_dma semaphore(%run_scoped3A_236 : memref<!tpu.dma_semaphore, #tpu.memory_space<semaphore_mem>>) src(%dma_wait3A_250 : memref<128x128xf32, #tpu.memory_space<vmem>>) dst(%dma_wait3A_256 : memref<10112x128xf32, #tpu.memory_space<vmem_shared>>)
        tpu.yield
      }) : () -> ()
      %dma_wait3A_222 = arith.constant 7 : i32
      %dma_wait3A_223 = arith.constant 1 : i32
      %dma_wait3A_224 = arith.constant 0 : i32
      %dma_wait3A_225 = arith.constant 0 : i32
      %dma_wait3A_226 = tpu.memref_slice %arg10[%dma_wait3A_223, %dma_wait3A_224, %dma_wait3A_225] : memref<2x128x128xf32, #tpu.memory_space<vmem>> -> memref<1x128x128xf32, #tpu.memory_space<vmem>>
      %dma_wait3A_227 = tpu.memref_squeeze %dma_wait3A_226 : memref<1x128x128xf32, #tpu.memory_space<vmem>> -> memref<128x128xf32, #tpu.memory_space<vmem>>
      %dma_wait3A_228 = arith.constant 0 : i32
      %dma_wait3A_229 = tpu.memref_slice %arg8[%dma_wait3A_222, %dma_wait3A_228] : memref<8x128xi32, #tpu.memory_space<vmem>> -> memref<1x128xi32, #tpu.memory_space<vmem>>
      %dma_wait3A_230 = tpu.memref_squeeze %dma_wait3A_229 : memref<1x128xi32, #tpu.memory_space<vmem>> -> memref<128xi32, #tpu.memory_space<vmem>>
      %dma_wait3A_231 = arith.constant 0 : i32
      %dma_wait3A_232 = arith.constant 0 : i32
      %dma_wait3A_233 = tpu.memref_slice %arg4[%dma_wait3A_231, %dma_wait3A_232] : memref<10112x128xf32, #tpu.memory_space<hbm>> -> memref<10112x128xf32, #tpu.memory_space<hbm>>
      tpu.wait_indirect_dma semaphore(%arg12 : memref<!tpu.dma_semaphore, #tpu.memory_space<semaphore_mem>>) src(%dma_wait3A_233 : memref<10112x128xf32, #tpu.memory_space<hbm>>) dst(%dma_wait3A_227 : memref<128x128xf32, #tpu.memory_space<vmem>>)
      %run_scoped3A_234 = arith.constant 1 : i32
      %run_scoped3A_235 = arith.constant 7 : i32
      "tpu.region"() ({
        %run_scoped3A_236 = tpu.sem_alloc : memref<!tpu.dma_semaphore, #tpu.memory_space<semaphore_mem>>
        %dma_start3A_237 = arith.constant 0 : i32
        %dma_start3A_238 = arith.constant 0 : i32
        %dma_start3A_239 = tpu.memref_slice %arg10[%run_scoped3A_234, %dma_start3A_237, %dma_start3A_238] : memref<2x128x128xf32, #tpu.memory_space<vmem>> -> memref<1x128x128xf32, #tpu.memory_space<vmem>>
        %dma_start3A_240 = tpu.memref_squeeze %dma_start3A_239 : memref<1x128x128xf32, #tpu.memory_space<vmem>> -> memref<128x128xf32, #tpu.memory_space<vmem>>
        %dma_start3A_241 = arith.constant 0 : i32
        %dma_start3A_242 = tpu.memref_slice %arg9[%run_scoped3A_235, %dma_start3A_241] : memref<8x128xi32, #tpu.memory_space<vmem>> -> memref<1x128xi32, #tpu.memory_space<vmem>>
        %dma_start3A_243 = tpu.memref_squeeze %dma_start3A_242 : memref<1x128xi32, #tpu.memory_space<vmem>> -> memref<128xi32, #tpu.memory_space<vmem>>
        %dma_start3A_244 = arith.constant 0 : i32
        %dma_start3A_245 = arith.constant 0 : i32
        %dma_start3A_246 = tpu.memref_slice %arg7[%dma_start3A_244, %dma_start3A_245] : memref<10112x128xf32, #tpu.memory_space<vmem_shared>> -> memref<10112x128xf32, #tpu.memory_space<vmem_shared>>
        tpu.enqueue_indirect_dma source(%dma_start3A_240 : memref<128x128xf32, #tpu.memory_space<vmem>>) target(%dma_start3A_246 : memref<10112x128xf32, #tpu.memory_space<vmem_shared>>) offsets(%dma_start3A_243 : memref<128xi32, #tpu.memory_space<vmem>>) semaphore(%run_scoped3A_236 : memref<!tpu.dma_semaphore, #tpu.memory_space<semaphore_mem>>) {add = true}
        %dma_wait3A_247 = arith.constant 0 : i32
        %dma_wait3A_248 = arith.constant 0 : i32
        %dma_wait3A_249 = tpu.memref_slice %arg10[%run_scoped3A_234, %dma_wait3A_247, %dma_wait3A_248] : memref<2x128x128xf32, #tpu.memory_space<vmem>> -> memref<1x128x128xf32, #tpu.memory_space<vmem>>
        %dma_wait3A_250 = tpu.memref_squeeze %dma_wait3A_249 : memref<1x128x128xf32, #tpu.memory_space<vmem>> -> memref<128x128xf32, #tpu.memory_space<vmem>>
        %dma_wait3A_251 = arith.constant 0 : i32
        %dma_wait3A_252 = tpu.memref_slice %arg9[%run_scoped3A_235, %dma_wait3A_251] : memref<8x128xi32, #tpu.memory_space<vmem>> -> memref<1x128xi32, #tpu.memory_space<vmem>>
        %dma_wait3A_253 = tpu.memref_squeeze %dma_wait3A_252 : memref<1x128xi32, #tpu.memory_space<vmem>> -> memref<128xi32, #tpu.memory_space<vmem>>
        %dma_wait3A_254 = arith.constant 0 : i32
        %dma_wait3A_255 = arith.constant 0 : i32
        %dma_wait3A_256 = tpu.memref_slice %arg7[%dma_wait3A_254, %dma_wait3A_255] : memref<10112x128xf32, #tpu.memory_space<vmem_shared>> -> memref<10112x128xf32, #tpu.memory_space<vmem_shared>>
        tpu.wait_indirect_dma semaphore(%run_scoped3A_236 : memref<!tpu.dma_semaphore, #tpu.memory_space<semaphore_mem>>) src(%dma_wait3A_250 : memref<128x128xf32, #tpu.memory_space<vmem>>) dst(%dma_wait3A_256 : memref<10112x128xf32, #tpu.memory_space<vmem_shared>>)
        tpu.yield
      }) : () -> ()
    }
    %while3A_20 = arith.constant 1 : i32
    scf.for %while3A_26 = %while3A_18 to %while3A_14 step %while3A_20  : i32 {
      %mul3A_27 = arith.constant 8 : i32
      %mul3A_28 = arith.muli %while3A_26, %mul3A_27 : i32
      "tpu.region"() ({
        %run_scoped3A_236 = tpu.sem_alloc : memref<!tpu.dma_semaphore, #tpu.memory_space<semaphore_mem>>
        %dma_start3A_237 = arith.constant 0 : i32
        %dma_start3A_238 = tpu.memref_slice %arg2[%add3A, %mul3A_28, %dma_start3A_237] : memref<32x80x128xi32, #tpu.memory_space<hbm>> -> memref<1x8x128xi32, #tpu.memory_space<hbm>>
        %dma_start3A_239 = tpu.memref_squeeze %dma_start3A_238 : memref<1x8x128xi32, #tpu.memory_space<hbm>> -> memref<8x128xi32, #tpu.memory_space<hbm>>
        %dma_start3A_240 = arith.constant 0 : i32
        %dma_start3A_241 = tpu.memref_slice %arg2[%add3A, %mul3A_28, %dma_start3A_240] : memref<32x80x128xi32, #tpu.memory_space<hbm>> -> memref<1x8x128xi32, #tpu.memory_space<hbm>>
        %dma_start3A_242 = tpu.memref_squeeze %dma_start3A_241 : memref<1x8x128xi32, #tpu.memory_space<hbm>> -> memref<8x128xi32, #tpu.memory_space<hbm>>
        tpu.enqueue_dma source(%dma_start3A_242 : memref<8x128xi32, #tpu.memory_space<hbm>>) target(%arg8 : memref<8x128xi32, #tpu.memory_space<vmem>>) target_semaphore(%run_scoped3A_236 : memref<!tpu.dma_semaphore, #tpu.memory_space<semaphore_mem>>)
        %dma_wait3A_243 = arith.constant 0 : i32
        %dma_wait3A_244 = tpu.memref_slice %arg2[%add3A, %mul3A_28, %dma_wait3A_243] : memref<32x80x128xi32, #tpu.memory_space<hbm>> -> memref<1x8x128xi32, #tpu.memory_space<hbm>>
        %dma_wait3A_245 = tpu.memref_squeeze %dma_wait3A_244 : memref<1x8x128xi32, #tpu.memory_space<hbm>> -> memref<8x128xi32, #tpu.memory_space<hbm>>
        %dma_wait3A_246 = arith.constant 0 : i32
        %dma_wait3A_247 = tpu.memref_slice %arg2[%add3A, %mul3A_28, %dma_wait3A_246] : memref<32x80x128xi32, #tpu.memory_space<hbm>> -> memref<1x8x128xi32, #tpu.memory_space<hbm>>
        %dma_wait3A_248 = tpu.memref_squeeze %dma_wait3A_247 : memref<1x8x128xi32, #tpu.memory_space<hbm>> -> memref<8x128xi32, #tpu.memory_space<hbm>>
        tpu.wait_dma2 semaphore(%run_scoped3A_236 : memref<!tpu.dma_semaphore, #tpu.memory_space<semaphore_mem>>) src(%dma_wait3A_248 : memref<8x128xi32, #tpu.memory_space<hbm>>) dst(%arg8 : memref<8x128xi32, #tpu.memory_space<vmem>>)
        tpu.yield
      }) : () -> ()
      %mul3A_29 = arith.constant 8 : i32
      %mul3A_30 = arith.muli %while3A_26, %mul3A_29 : i32
      "tpu.region"() ({
        %run_scoped3A_236 = tpu.sem_alloc : memref<!tpu.dma_semaphore, #tpu.memory_space<semaphore_mem>>
        %dma_start3A_237 = arith.constant 0 : i32
        %dma_start3A_238 = tpu.memref_slice %arg3[%add3A, %mul3A_30, %dma_start3A_237] : memref<32x80x128xi32, #tpu.memory_space<hbm>> -> memref<1x8x128xi32, #tpu.memory_space<hbm>>
        %dma_start3A_239 = tpu.memref_squeeze %dma_start3A_238 : memref<1x8x128xi32, #tpu.memory_space<hbm>> -> memref<8x128xi32, #tpu.memory_space<hbm>>
        %dma_start3A_240 = arith.constant 0 : i32
        %dma_start3A_241 = tpu.memref_slice %arg3[%add3A, %mul3A_30, %dma_start3A_240] : memref<32x80x128xi32, #tpu.memory_space<hbm>> -> memref<1x8x128xi32, #tpu.memory_space<hbm>>
        %dma_start3A_242 = tpu.memref_squeeze %dma_start3A_241 : memref<1x8x128xi32, #tpu.memory_space<hbm>> -> memref<8x128xi32, #tpu.memory_space<hbm>>
        tpu.enqueue_dma source(%dma_start3A_242 : memref<8x128xi32, #tpu.memory_space<hbm>>) target(%arg9 : memref<8x128xi32, #tpu.memory_space<vmem>>) target_semaphore(%run_scoped3A_236 : memref<!tpu.dma_semaphore, #tpu.memory_space<semaphore_mem>>)
        %dma_wait3A_243 = arith.constant 0 : i32
        %dma_wait3A_244 = tpu.memref_slice %arg3[%add3A, %mul3A_30, %dma_wait3A_243] : memref<32x80x128xi32, #tpu.memory_space<hbm>> -> memref<1x8x128xi32, #tpu.memory_space<hbm>>
        %dma_wait3A_245 = tpu.memref_squeeze %dma_wait3A_244 : memref<1x8x128xi32, #tpu.memory_space<hbm>> -> memref<8x128xi32, #tpu.memory_space<hbm>>
        %dma_wait3A_246 = arith.constant 0 : i32
        %dma_wait3A_247 = tpu.memref_slice %arg3[%add3A, %mul3A_30, %dma_wait3A_246] : memref<32x80x128xi32, #tpu.memory_space<hbm>> -> memref<1x8x128xi32, #tpu.memory_space<hbm>>
        %dma_wait3A_248 = tpu.memref_squeeze %dma_wait3A_247 : memref<1x8x128xi32, #tpu.memory_space<hbm>> -> memref<8x128xi32, #tpu.memory_space<hbm>>
        tpu.wait_dma2 semaphore(%run_scoped3A_236 : memref<!tpu.dma_semaphore, #tpu.memory_space<semaphore_mem>>) src(%dma_wait3A_248 : memref<8x128xi32, #tpu.memory_space<hbm>>) dst(%arg9 : memref<8x128xi32, #tpu.memory_space<vmem>>)
        tpu.yield
      }) : () -> ()
      %dma_start3A = arith.constant 0 : i32
      %dma_start3A_31 = arith.constant 0 : i32
      %dma_start3A_32 = arith.constant 0 : i32
      %dma_start3A_33 = arith.constant 0 : i32
      %dma_start3A_34 = tpu.memref_slice %arg10[%dma_start3A_31, %dma_start3A_32, %dma_start3A_33] : memref<2x128x128xf32, #tpu.memory_space<vmem>> -> memref<1x128x128xf32, #tpu.memory_space<vmem>>
      %dma_start3A_35 = tpu.memref_squeeze %dma_start3A_34 : memref<1x128x128xf32, #tpu.memory_space<vmem>> -> memref<128x128xf32, #tpu.memory_space<vmem>>
      %dma_start3A_36 = arith.constant 0 : i32
      %dma_start3A_37 = tpu.memref_slice %arg8[%dma_start3A, %dma_start3A_36] : memref<8x128xi32, #tpu.memory_space<vmem>> -> memref<1x128xi32, #tpu.memory_space<vmem>>
      %dma_start3A_38 = tpu.memref_squeeze %dma_start3A_37 : memref<1x128xi32, #tpu.memory_space<vmem>> -> memref<128xi32, #tpu.memory_space<vmem>>
      %dma_start3A_39 = arith.constant 0 : i32
      %dma_start3A_40 = arith.constant 0 : i32
      %dma_start3A_41 = tpu.memref_slice %arg4[%dma_start3A_39, %dma_start3A_40] : memref<10112x128xf32, #tpu.memory_space<hbm>> -> memref<10112x128xf32, #tpu.memory_space<hbm>>
      tpu.enqueue_indirect_dma source(%dma_start3A_41 : memref<10112x128xf32, #tpu.memory_space<hbm>>) target(%dma_start3A_35 : memref<128x128xf32, #tpu.memory_space<vmem>>) offsets(%dma_start3A_38 : memref<128xi32, #tpu.memory_space<vmem>>) semaphore(%arg11 : memref<!tpu.dma_semaphore, #tpu.memory_space<semaphore_mem>>)
      %dma_start3A_42 = arith.constant 1 : i32
      %dma_start3A_43 = arith.constant 1 : i32
      %dma_start3A_44 = arith.constant 0 : i32
      %dma_start3A_45 = arith.constant 0 : i32
      %dma_start3A_46 = tpu.memref_slice %arg10[%dma_start3A_43, %dma_start3A_44, %dma_start3A_45] : memref<2x128x128xf32, #tpu.memory_space<vmem>> -> memref<1x128x128xf32, #tpu.memory_space<vmem>>
      %dma_start3A_47 = tpu.memref_squeeze %dma_start3A_46 : memref<1x128x128xf32, #tpu.memory_space<vmem>> -> memref<128x128xf32, #tpu.memory_space<vmem>>
      %dma_start3A_48 = arith.constant 0 : i32
      %dma_start3A_49 = tpu.memref_slice %arg8[%dma_start3A_42, %dma_start3A_48] : memref<8x128xi32, #tpu.memory_space<vmem>> -> memref<1x128xi32, #tpu.memory_space<vmem>>
      %dma_start3A_50 = tpu.memref_squeeze %dma_start3A_49 : memref<1x128xi32, #tpu.memory_space<vmem>> -> memref<128xi32, #tpu.memory_space<vmem>>
      %dma_start3A_51 = arith.constant 0 : i32
      %dma_start3A_52 = arith.constant 0 : i32
      %dma_start3A_53 = tpu.memref_slice %arg4[%dma_start3A_51, %dma_start3A_52] : memref<10112x128xf32, #tpu.memory_space<hbm>> -> memref<10112x128xf32, #tpu.memory_space<hbm>>
      tpu.enqueue_indirect_dma source(%dma_start3A_53 : memref<10112x128xf32, #tpu.memory_space<hbm>>) target(%dma_start3A_47 : memref<128x128xf32, #tpu.memory_space<vmem>>) offsets(%dma_start3A_50 : memref<128xi32, #tpu.memory_space<vmem>>) semaphore(%arg12 : memref<!tpu.dma_semaphore, #tpu.memory_space<semaphore_mem>>)
      %dma_wait3A = arith.constant 0 : i32
      %dma_wait3A_54 = arith.constant 0 : i32
      %dma_wait3A_55 = arith.constant 0 : i32
      %dma_wait3A_56 = arith.constant 0 : i32
      %dma_wait3A_57 = tpu.memref_slice %arg10[%dma_wait3A_54, %dma_wait3A_55, %dma_wait3A_56] : memref<2x128x128xf32, #tpu.memory_space<vmem>> -> memref<1x128x128xf32, #tpu.memory_space<vmem>>
      %dma_wait3A_58 = tpu.memref_squeeze %dma_wait3A_57 : memref<1x128x128xf32, #tpu.memory_space<vmem>> -> memref<128x128xf32, #tpu.memory_space<vmem>>
      %dma_wait3A_59 = arith.constant 0 : i32
      %dma_wait3A_60 = tpu.memref_slice %arg8[%dma_wait3A, %dma_wait3A_59] : memref<8x128xi32, #tpu.memory_space<vmem>> -> memref<1x128xi32, #tpu.memory_space<vmem>>
      %dma_wait3A_61 = tpu.memref_squeeze %dma_wait3A_60 : memref<1x128xi32, #tpu.memory_space<vmem>> -> memref<128xi32, #tpu.memory_space<vmem>>
      %dma_wait3A_62 = arith.constant 0 : i32
      %dma_wait3A_63 = arith.constant 0 : i32
      %dma_wait3A_64 = tpu.memref_slice %arg4[%dma_wait3A_62, %dma_wait3A_63] : memref<10112x128xf32, #tpu.memory_space<hbm>> -> memref<10112x128xf32, #tpu.memory_space<hbm>>
      tpu.wait_indirect_dma semaphore(%arg11 : memref<!tpu.dma_semaphore, #tpu.memory_space<semaphore_mem>>) src(%dma_wait3A_64 : memref<10112x128xf32, #tpu.memory_space<hbm>>) dst(%dma_wait3A_58 : memref<128x128xf32, #tpu.memory_space<vmem>>)
      %run_scoped3A = arith.constant 0 : i32
      %run_scoped3A_65 = arith.constant 0 : i32
      "tpu.region"() ({
        %run_scoped3A_236 = tpu.sem_alloc : memref<!tpu.dma_semaphore, #tpu.memory_space<semaphore_mem>>
        %dma_start3A_237 = arith.constant 0 : i32
        %dma_start3A_238 = arith.constant 0 : i32
        %dma_start3A_239 = tpu.memref_slice %arg10[%run_scoped3A, %dma_start3A_237, %dma_start3A_238] : memref<2x128x128xf32, #tpu.memory_space<vmem>> -> memref<1x128x128xf32, #tpu.memory_space<vmem>>
        %dma_start3A_240 = tpu.memref_squeeze %dma_start3A_239 : memref<1x128x128xf32, #tpu.memory_space<vmem>> -> memref<128x128xf32, #tpu.memory_space<vmem>>
        %dma_start3A_241 = arith.constant 0 : i32
        %dma_start3A_242 = tpu.memref_slice %arg9[%run_scoped3A_65, %dma_start3A_241] : memref<8x128xi32, #tpu.memory_space<vmem>> -> memref<1x128xi32, #tpu.memory_space<vmem>>
        %dma_start3A_243 = tpu.memref_squeeze %dma_start3A_242 : memref<1x128xi32, #tpu.memory_space<vmem>> -> memref<128xi32, #tpu.memory_space<vmem>>
        %dma_start3A_244 = arith.constant 0 : i32
        %dma_start3A_245 = arith.constant 0 : i32
        %dma_start3A_246 = tpu.memref_slice %arg7[%dma_start3A_244, %dma_start3A_245] : memref<10112x128xf32, #tpu.memory_space<vmem_shared>> -> memref<10112x128xf32, #tpu.memory_space<vmem_shared>>
        tpu.enqueue_indirect_dma source(%dma_start3A_240 : memref<128x128xf32, #tpu.memory_space<vmem>>) target(%dma_start3A_246 : memref<10112x128xf32, #tpu.memory_space<vmem_shared>>) offsets(%dma_start3A_243 : memref<128xi32, #tpu.memory_space<vmem>>) semaphore(%run_scoped3A_236 : memref<!tpu.dma_semaphore, #tpu.memory_space<semaphore_mem>>) {add = true}
        %dma_wait3A_247 = arith.constant 0 : i32
        %dma_wait3A_248 = arith.constant 0 : i32
        %dma_wait3A_249 = tpu.memref_slice %arg10[%run_scoped3A, %dma_wait3A_247, %dma_wait3A_248] : memref<2x128x128xf32, #tpu.memory_space<vmem>> -> memref<1x128x128xf32, #tpu.memory_space<vmem>>
        %dma_wait3A_250 = tpu.memref_squeeze %dma_wait3A_249 : memref<1x128x128xf32, #tpu.memory_space<vmem>> -> memref<128x128xf32, #tpu.memory_space<vmem>>
        %dma_wait3A_251 = arith.constant 0 : i32
        %dma_wait3A_252 = tpu.memref_slice %arg9[%run_scoped3A_65, %dma_wait3A_251] : memref<8x128xi32, #tpu.memory_space<vmem>> -> memref<1x128xi32, #tpu.memory_space<vmem>>
        %dma_wait3A_253 = tpu.memref_squeeze %dma_wait3A_252 : memref<1x128xi32, #tpu.memory_space<vmem>> -> memref<128xi32, #tpu.memory_space<vmem>>
        %dma_wait3A_254 = arith.constant 0 : i32
        %dma_wait3A_255 = arith.constant 0 : i32
        %dma_wait3A_256 = tpu.memref_slice %arg7[%dma_wait3A_254, %dma_wait3A_255] : memref<10112x128xf32, #tpu.memory_space<vmem_shared>> -> memref<10112x128xf32, #tpu.memory_space<vmem_shared>>
        tpu.wait_indirect_dma semaphore(%run_scoped3A_236 : memref<!tpu.dma_semaphore, #tpu.memory_space<semaphore_mem>>) src(%dma_wait3A_250 : memref<128x128xf32, #tpu.memory_space<vmem>>) dst(%dma_wait3A_256 : memref<10112x128xf32, #tpu.memory_space<vmem_shared>>)
        tpu.yield
      }) : () -> ()
      %dma_start3A_66 = arith.constant 2 : i32
      %dma_start3A_67 = arith.constant 0 : i32
      %dma_start3A_68 = arith.constant 0 : i32
      %dma_start3A_69 = arith.constant 0 : i32
      %dma_start3A_70 = tpu.memref_slice %arg10[%dma_start3A_67, %dma_start3A_68, %dma_start3A_69] : memref<2x128x128xf32, #tpu.memory_space<vmem>> -> memref<1x128x128xf32, #tpu.memory_space<vmem>>
      %dma_start3A_71 = tpu.memref_squeeze %dma_start3A_70 : memref<1x128x128xf32, #tpu.memory_space<vmem>> -> memref<128x128xf32, #tpu.memory_space<vmem>>
      %dma_start3A_72 = arith.constant 0 : i32
      %dma_start3A_73 = tpu.memref_slice %arg8[%dma_start3A_66, %dma_start3A_72] : memref<8x128xi32, #tpu.memory_space<vmem>> -> memref<1x128xi32, #tpu.memory_space<vmem>>
      %dma_start3A_74 = tpu.memref_squeeze %dma_start3A_73 : memref<1x128xi32, #tpu.memory_space<vmem>> -> memref<128xi32, #tpu.memory_space<vmem>>
      %dma_start3A_75 = arith.constant 0 : i32
      %dma_start3A_76 = arith.constant 0 : i32
      %dma_start3A_77 = tpu.memref_slice %arg4[%dma_start3A_75, %dma_start3A_76] : memref<10112x128xf32, #tpu.memory_space<hbm>> -> memref<10112x128xf32, #tpu.memory_space<hbm>>
      tpu.enqueue_indirect_dma source(%dma_start3A_77 : memref<10112x128xf32, #tpu.memory_space<hbm>>) target(%dma_start3A_71 : memref<128x128xf32, #tpu.memory_space<vmem>>) offsets(%dma_start3A_74 : memref<128xi32, #tpu.memory_space<vmem>>) semaphore(%arg11 : memref<!tpu.dma_semaphore, #tpu.memory_space<semaphore_mem>>)
      %dma_wait3A_78 = arith.constant 1 : i32
      %dma_wait3A_79 = arith.constant 1 : i32
      %dma_wait3A_80 = arith.constant 0 : i32
      %dma_wait3A_81 = arith.constant 0 : i32
      %dma_wait3A_82 = tpu.memref_slice %arg10[%dma_wait3A_79, %dma_wait3A_80, %dma_wait3A_81] : memref<2x128x128xf32, #tpu.memory_space<vmem>> -> memref<1x128x128xf32, #tpu.memory_space<vmem>>
      %dma_wait3A_83 = tpu.memref_squeeze %dma_wait3A_82 : memref<1x128x128xf32, #tpu.memory_space<vmem>> -> memref<128x128xf32, #tpu.memory_space<vmem>>
      %dma_wait3A_84 = arith.constant 0 : i32
      %dma_wait3A_85 = tpu.memref_slice %arg8[%dma_wait3A_78, %dma_wait3A_84] : memref<8x128xi32, #tpu.memory_space<vmem>> -> memref<1x128xi32, #tpu.memory_space<vmem>>
      %dma_wait3A_86 = tpu.memref_squeeze %dma_wait3A_85 : memref<1x128xi32, #tpu.memory_space<vmem>> -> memref<128xi32, #tpu.memory_space<vmem>>
      %dma_wait3A_87 = arith.constant 0 : i32
      %dma_wait3A_88 = arith.constant 0 : i32
      %dma_wait3A_89 = tpu.memref_slice %arg4[%dma_wait3A_87, %dma_wait3A_88] : memref<10112x128xf32, #tpu.memory_space<hbm>> -> memref<10112x128xf32, #tpu.memory_space<hbm>>
      tpu.wait_indirect_dma semaphore(%arg12 : memref<!tpu.dma_semaphore, #tpu.memory_space<semaphore_mem>>) src(%dma_wait3A_89 : memref<10112x128xf32, #tpu.memory_space<hbm>>) dst(%dma_wait3A_83 : memref<128x128xf32, #tpu.memory_space<vmem>>)
      %run_scoped3A_90 = arith.constant 1 : i32
      %run_scoped3A_91 = arith.constant 1 : i32
      "tpu.region"() ({
        %run_scoped3A_236 = tpu.sem_alloc : memref<!tpu.dma_semaphore, #tpu.memory_space<semaphore_mem>>
        %dma_start3A_237 = arith.constant 0 : i32
        %dma_start3A_238 = arith.constant 0 : i32
        %dma_start3A_239 = tpu.memref_slice %arg10[%run_scoped3A_90, %dma_start3A_237, %dma_start3A_238] : memref<2x128x128xf32, #tpu.memory_space<vmem>> -> memref<1x128x128xf32, #tpu.memory_space<vmem>>
        %dma_start3A_240 = tpu.memref_squeeze %dma_start3A_239 : memref<1x128x128xf32, #tpu.memory_space<vmem>> -> memref<128x128xf32, #tpu.memory_space<vmem>>
        %dma_start3A_241 = arith.constant 0 : i32
        %dma_start3A_242 = tpu.memref_slice %arg9[%run_scoped3A_91, %dma_start3A_241] : memref<8x128xi32, #tpu.memory_space<vmem>> -> memref<1x128xi32, #tpu.memory_space<vmem>>
        %dma_start3A_243 = tpu.memref_squeeze %dma_start3A_242 : memref<1x128xi32, #tpu.memory_space<vmem>> -> memref<128xi32, #tpu.memory_space<vmem>>
        %dma_start3A_244 = arith.constant 0 : i32
        %dma_start3A_245 = arith.constant 0 : i32
        %dma_start3A_246 = tpu.memref_slice %arg7[%dma_start3A_244, %dma_start3A_245] : memref<10112x128xf32, #tpu.memory_space<vmem_shared>> -> memref<10112x128xf32, #tpu.memory_space<vmem_shared>>
        tpu.enqueue_indirect_dma source(%dma_start3A_240 : memref<128x128xf32, #tpu.memory_space<vmem>>) target(%dma_start3A_246 : memref<10112x128xf32, #tpu.memory_space<vmem_shared>>) offsets(%dma_start3A_243 : memref<128xi32, #tpu.memory_space<vmem>>) semaphore(%run_scoped3A_236 : memref<!tpu.dma_semaphore, #tpu.memory_space<semaphore_mem>>) {add = true}
        %dma_wait3A_247 = arith.constant 0 : i32
        %dma_wait3A_248 = arith.constant 0 : i32
        %dma_wait3A_249 = tpu.memref_slice %arg10[%run_scoped3A_90, %dma_wait3A_247, %dma_wait3A_248] : memref<2x128x128xf32, #tpu.memory_space<vmem>> -> memref<1x128x128xf32, #tpu.memory_space<vmem>>
        %dma_wait3A_250 = tpu.memref_squeeze %dma_wait3A_249 : memref<1x128x128xf32, #tpu.memory_space<vmem>> -> memref<128x128xf32, #tpu.memory_space<vmem>>
        %dma_wait3A_251 = arith.constant 0 : i32
        %dma_wait3A_252 = tpu.memref_slice %arg9[%run_scoped3A_91, %dma_wait3A_251] : memref<8x128xi32, #tpu.memory_space<vmem>> -> memref<1x128xi32, #tpu.memory_space<vmem>>
        %dma_wait3A_253 = tpu.memref_squeeze %dma_wait3A_252 : memref<1x128xi32, #tpu.memory_space<vmem>> -> memref<128xi32, #tpu.memory_space<vmem>>
        %dma_wait3A_254 = arith.constant 0 : i32
        %dma_wait3A_255 = arith.constant 0 : i32
        %dma_wait3A_256 = tpu.memref_slice %arg7[%dma_wait3A_254, %dma_wait3A_255] : memref<10112x128xf32, #tpu.memory_space<vmem_shared>> -> memref<10112x128xf32, #tpu.memory_space<vmem_shared>>
        tpu.wait_indirect_dma semaphore(%run_scoped3A_236 : memref<!tpu.dma_semaphore, #tpu.memory_space<semaphore_mem>>) src(%dma_wait3A_250 : memref<128x128xf32, #tpu.memory_space<vmem>>) dst(%dma_wait3A_256 : memref<10112x128xf32, #tpu.memory_space<vmem_shared>>)
        tpu.yield
      }) : () -> ()
      %dma_start3A_92 = arith.constant 3 : i32
      %dma_start3A_93 = arith.constant 1 : i32
      %dma_start3A_94 = arith.constant 0 : i32
      %dma_start3A_95 = arith.constant 0 : i32
      %dma_start3A_96 = tpu.memref_slice %arg10[%dma_start3A_93, %dma_start3A_94, %dma_start3A_95] : memref<2x128x128xf32, #tpu.memory_space<vmem>> -> memref<1x128x128xf32, #tpu.memory_space<vmem>>
      %dma_start3A_97 = tpu.memref_squeeze %dma_start3A_96 : memref<1x128x128xf32, #tpu.memory_space<vmem>> -> memref<128x128xf32, #tpu.memory_space<vmem>>
      %dma_start3A_98 = arith.constant 0 : i32
      %dma_start3A_99 = tpu.memref_slice %arg8[%dma_start3A_92, %dma_start3A_98] : memref<8x128xi32, #tpu.memory_space<vmem>> -> memref<1x128xi32, #tpu.memory_space<vmem>>
      %dma_start3A_100 = tpu.memref_squeeze %dma_start3A_99 : memref<1x128xi32, #tpu.memory_space<vmem>> -> memref<128xi32, #tpu.memory_space<vmem>>
      %dma_start3A_101 = arith.constant 0 : i32
      %dma_start3A_102 = arith.constant 0 : i32
      %dma_start3A_103 = tpu.memref_slice %arg4[%dma_start3A_101, %dma_start3A_102] : memref<10112x128xf32, #tpu.memory_space<hbm>> -> memref<10112x128xf32, #tpu.memory_space<hbm>>
      tpu.enqueue_indirect_dma source(%dma_start3A_103 : memref<10112x128xf32, #tpu.memory_space<hbm>>) target(%dma_start3A_97 : memref<128x128xf32, #tpu.memory_space<vmem>>) offsets(%dma_start3A_100 : memref<128xi32, #tpu.memory_space<vmem>>) semaphore(%arg12 : memref<!tpu.dma_semaphore, #tpu.memory_space<semaphore_mem>>)
      %dma_wait3A_104 = arith.constant 2 : i32
      %dma_wait3A_105 = arith.constant 0 : i32
      %dma_wait3A_106 = arith.constant 0 : i32
      %dma_wait3A_107 = arith.constant 0 : i32
      %dma_wait3A_108 = tpu.memref_slice %arg10[%dma_wait3A_105, %dma_wait3A_106, %dma_wait3A_107] : memref<2x128x128xf32, #tpu.memory_space<vmem>> -> memref<1x128x128xf32, #tpu.memory_space<vmem>>
      %dma_wait3A_109 = tpu.memref_squeeze %dma_wait3A_108 : memref<1x128x128xf32, #tpu.memory_space<vmem>> -> memref<128x128xf32, #tpu.memory_space<vmem>>
      %dma_wait3A_110 = arith.constant 0 : i32
      %dma_wait3A_111 = tpu.memref_slice %arg8[%dma_wait3A_104, %dma_wait3A_110] : memref<8x128xi32, #tpu.memory_space<vmem>> -> memref<1x128xi32, #tpu.memory_space<vmem>>
      %dma_wait3A_112 = tpu.memref_squeeze %dma_wait3A_111 : memref<1x128xi32, #tpu.memory_space<vmem>> -> memref<128xi32, #tpu.memory_space<vmem>>
      %dma_wait3A_113 = arith.constant 0 : i32
      %dma_wait3A_114 = arith.constant 0 : i32
      %dma_wait3A_115 = tpu.memref_slice %arg4[%dma_wait3A_113, %dma_wait3A_114] : memref<10112x128xf32, #tpu.memory_space<hbm>> -> memref<10112x128xf32, #tpu.memory_space<hbm>>
      tpu.wait_indirect_dma semaphore(%arg11 : memref<!tpu.dma_semaphore, #tpu.memory_space<semaphore_mem>>) src(%dma_wait3A_115 : memref<10112x128xf32, #tpu.memory_space<hbm>>) dst(%dma_wait3A_109 : memref<128x128xf32, #tpu.memory_space<vmem>>)
      %run_scoped3A_116 = arith.constant 0 : i32
      %run_scoped3A_117 = arith.constant 2 : i32
      "tpu.region"() ({
        %run_scoped3A_236 = tpu.sem_alloc : memref<!tpu.dma_semaphore, #tpu.memory_space<semaphore_mem>>
        %dma_start3A_237 = arith.constant 0 : i32
        %dma_start3A_238 = arith.constant 0 : i32
        %dma_start3A_239 = tpu.memref_slice %arg10[%run_scoped3A_116, %dma_start3A_237, %dma_start3A_238] : memref<2x128x128xf32, #tpu.memory_space<vmem>> -> memref<1x128x128xf32, #tpu.memory_space<vmem>>
        %dma_start3A_240 = tpu.memref_squeeze %dma_start3A_239 : memref<1x128x128xf32, #tpu.memory_space<vmem>> -> memref<128x128xf32, #tpu.memory_space<vmem>>
        %dma_start3A_241 = arith.constant 0 : i32
        %dma_start3A_242 = tpu.memref_slice %arg9[%run_scoped3A_117, %dma_start3A_241] : memref<8x128xi32, #tpu.memory_space<vmem>> -> memref<1x128xi32, #tpu.memory_space<vmem>>
        %dma_start3A_243 = tpu.memref_squeeze %dma_start3A_242 : memref<1x128xi32, #tpu.memory_space<vmem>> -> memref<128xi32, #tpu.memory_space<vmem>>
        %dma_start3A_244 = arith.constant 0 : i32
        %dma_start3A_245 = arith.constant 0 : i32
        %dma_start3A_246 = tpu.memref_slice %arg7[%dma_start3A_244, %dma_start3A_245] : memref<10112x128xf32, #tpu.memory_space<vmem_shared>> -> memref<10112x128xf32, #tpu.memory_space<vmem_shared>>
        tpu.enqueue_indirect_dma source(%dma_start3A_240 : memref<128x128xf32, #tpu.memory_space<vmem>>) target(%dma_start3A_246 : memref<10112x128xf32, #tpu.memory_space<vmem_shared>>) offsets(%dma_start3A_243 : memref<128xi32, #tpu.memory_space<vmem>>) semaphore(%run_scoped3A_236 : memref<!tpu.dma_semaphore, #tpu.memory_space<semaphore_mem>>) {add = true}
        %dma_wait3A_247 = arith.constant 0 : i32
        %dma_wait3A_248 = arith.constant 0 : i32
        %dma_wait3A_249 = tpu.memref_slice %arg10[%run_scoped3A_116, %dma_wait3A_247, %dma_wait3A_248] : memref<2x128x128xf32, #tpu.memory_space<vmem>> -> memref<1x128x128xf32, #tpu.memory_space<vmem>>
        %dma_wait3A_250 = tpu.memref_squeeze %dma_wait3A_249 : memref<1x128x128xf32, #tpu.memory_space<vmem>> -> memref<128x128xf32, #tpu.memory_space<vmem>>
        %dma_wait3A_251 = arith.constant 0 : i32
        %dma_wait3A_252 = tpu.memref_slice %arg9[%run_scoped3A_117, %dma_wait3A_251] : memref<8x128xi32, #tpu.memory_space<vmem>> -> memref<1x128xi32, #tpu.memory_space<vmem>>
        %dma_wait3A_253 = tpu.memref_squeeze %dma_wait3A_252 : memref<1x128xi32, #tpu.memory_space<vmem>> -> memref<128xi32, #tpu.memory_space<vmem>>
        %dma_wait3A_254 = arith.constant 0 : i32
        %dma_wait3A_255 = arith.constant 0 : i32
        %dma_wait3A_256 = tpu.memref_slice %arg7[%dma_wait3A_254, %dma_wait3A_255] : memref<10112x128xf32, #tpu.memory_space<vmem_shared>> -> memref<10112x128xf32, #tpu.memory_space<vmem_shared>>
        tpu.wait_indirect_dma semaphore(%run_scoped3A_236 : memref<!tpu.dma_semaphore, #tpu.memory_space<semaphore_mem>>) src(%dma_wait3A_250 : memref<128x128xf32, #tpu.memory_space<vmem>>) dst(%dma_wait3A_256 : memref<10112x128xf32, #tpu.memory_space<vmem_shared>>)
        tpu.yield
      }) : () -> ()
      %dma_start3A_118 = arith.constant 4 : i32
      %dma_start3A_119 = arith.constant 0 : i32
      %dma_start3A_120 = arith.constant 0 : i32
      %dma_start3A_121 = arith.constant 0 : i32
      %dma_start3A_122 = tpu.memref_slice %arg10[%dma_start3A_119, %dma_start3A_120, %dma_start3A_121] : memref<2x128x128xf32, #tpu.memory_space<vmem>> -> memref<1x128x128xf32, #tpu.memory_space<vmem>>
      %dma_start3A_123 = tpu.memref_squeeze %dma_start3A_122 : memref<1x128x128xf32, #tpu.memory_space<vmem>> -> memref<128x128xf32, #tpu.memory_space<vmem>>
      %dma_start3A_124 = arith.constant 0 : i32
      %dma_start3A_125 = tpu.memref_slice %arg8[%dma_start3A_118, %dma_start3A_124] : memref<8x128xi32, #tpu.memory_space<vmem>> -> memref<1x128xi32, #tpu.memory_space<vmem>>
      %dma_start3A_126 = tpu.memref_squeeze %dma_start3A_125 : memref<1x128xi32, #tpu.memory_space<vmem>> -> memref<128xi32, #tpu.memory_space<vmem>>
      %dma_start3A_127 = arith.constant 0 : i32
      %dma_start3A_128 = arith.constant 0 : i32
      %dma_start3A_129 = tpu.memref_slice %arg4[%dma_start3A_127, %dma_start3A_128] : memref<10112x128xf32, #tpu.memory_space<hbm>> -> memref<10112x128xf32, #tpu.memory_space<hbm>>
      tpu.enqueue_indirect_dma source(%dma_start3A_129 : memref<10112x128xf32, #tpu.memory_space<hbm>>) target(%dma_start3A_123 : memref<128x128xf32, #tpu.memory_space<vmem>>) offsets(%dma_start3A_126 : memref<128xi32, #tpu.memory_space<vmem>>) semaphore(%arg11 : memref<!tpu.dma_semaphore, #tpu.memory_space<semaphore_mem>>)
      %dma_wait3A_130 = arith.constant 3 : i32
      %dma_wait3A_131 = arith.constant 1 : i32
      %dma_wait3A_132 = arith.constant 0 : i32
      %dma_wait3A_133 = arith.constant 0 : i32
      %dma_wait3A_134 = tpu.memref_slice %arg10[%dma_wait3A_131, %dma_wait3A_132, %dma_wait3A_133] : memref<2x128x128xf32, #tpu.memory_space<vmem>> -> memref<1x128x128xf32, #tpu.memory_space<vmem>>
      %dma_wait3A_135 = tpu.memref_squeeze %dma_wait3A_134 : memref<1x128x128xf32, #tpu.memory_space<vmem>> -> memref<128x128xf32, #tpu.memory_space<vmem>>
      %dma_wait3A_136 = arith.constant 0 : i32
      %dma_wait3A_137 = tpu.memref_slice %arg8[%dma_wait3A_130, %dma_wait3A_136] : memref<8x128xi32, #tpu.memory_space<vmem>> -> memref<1x128xi32, #tpu.memory_space<vmem>>
      %dma_wait3A_138 = tpu.memref_squeeze %dma_wait3A_137 : memref<1x128xi32, #tpu.memory_space<vmem>> -> memref<128xi32, #tpu.memory_space<vmem>>
      %dma_wait3A_139 = arith.constant 0 : i32
      %dma_wait3A_140 = arith.constant 0 : i32
      %dma_wait3A_141 = tpu.memref_slice %arg4[%dma_wait3A_139, %dma_wait3A_140] : memref<10112x128xf32, #tpu.memory_space<hbm>> -> memref<10112x128xf32, #tpu.memory_space<hbm>>
      tpu.wait_indirect_dma semaphore(%arg12 : memref<!tpu.dma_semaphore, #tpu.memory_space<semaphore_mem>>) src(%dma_wait3A_141 : memref<10112x128xf32, #tpu.memory_space<hbm>>) dst(%dma_wait3A_135 : memref<128x128xf32, #tpu.memory_space<vmem>>)
      %run_scoped3A_142 = arith.constant 1 : i32
      %run_scoped3A_143 = arith.constant 3 : i32
      "tpu.region"() ({
        %run_scoped3A_236 = tpu.sem_alloc : memref<!tpu.dma_semaphore, #tpu.memory_space<semaphore_mem>>
        %dma_start3A_237 = arith.constant 0 : i32
        %dma_start3A_238 = arith.constant 0 : i32
        %dma_start3A_239 = tpu.memref_slice %arg10[%run_scoped3A_142, %dma_start3A_237, %dma_start3A_238] : memref<2x128x128xf32, #tpu.memory_space<vmem>> -> memref<1x128x128xf32, #tpu.memory_space<vmem>>
        %dma_start3A_240 = tpu.memref_squeeze %dma_start3A_239 : memref<1x128x128xf32, #tpu.memory_space<vmem>> -> memref<128x128xf32, #tpu.memory_space<vmem>>
        %dma_start3A_241 = arith.constant 0 : i32
        %dma_start3A_242 = tpu.memref_slice %arg9[%run_scoped3A_143, %dma_start3A_241] : memref<8x128xi32, #tpu.memory_space<vmem>> -> memref<1x128xi32, #tpu.memory_space<vmem>>
        %dma_start3A_243 = tpu.memref_squeeze %dma_start3A_242 : memref<1x128xi32, #tpu.memory_space<vmem>> -> memref<128xi32, #tpu.memory_space<vmem>>
        %dma_start3A_244 = arith.constant 0 : i32
        %dma_start3A_245 = arith.constant 0 : i32
        %dma_start3A_246 = tpu.memref_slice %arg7[%dma_start3A_244, %dma_start3A_245] : memref<10112x128xf32, #tpu.memory_space<vmem_shared>> -> memref<10112x128xf32, #tpu.memory_space<vmem_shared>>
        tpu.enqueue_indirect_dma source(%dma_start3A_240 : memref<128x128xf32, #tpu.memory_space<vmem>>) target(%dma_start3A_246 : memref<10112x128xf32, #tpu.memory_space<vmem_shared>>) offsets(%dma_start3A_243 : memref<128xi32, #tpu.memory_space<vmem>>) semaphore(%run_scoped3A_236 : memref<!tpu.dma_semaphore, #tpu.memory_space<semaphore_mem>>) {add = true}
        %dma_wait3A_247 = arith.constant 0 : i32
        %dma_wait3A_248 = arith.constant 0 : i32
        %dma_wait3A_249 = tpu.memref_slice %arg10[%run_scoped3A_142, %dma_wait3A_247, %dma_wait3A_248] : memref<2x128x128xf32, #tpu.memory_space<vmem>> -> memref<1x128x128xf32, #tpu.memory_space<vmem>>
        %dma_wait3A_250 = tpu.memref_squeeze %dma_wait3A_249 : memref<1x128x128xf32, #tpu.memory_space<vmem>> -> memref<128x128xf32, #tpu.memory_space<vmem>>
        %dma_wait3A_251 = arith.constant 0 : i32
        %dma_wait3A_252 = tpu.memref_slice %arg9[%run_scoped3A_143, %dma_wait3A_251] : memref<8x128xi32, #tpu.memory_space<vmem>> -> memref<1x128xi32, #tpu.memory_space<vmem>>
        %dma_wait3A_253 = tpu.memref_squeeze %dma_wait3A_252 : memref<1x128xi32, #tpu.memory_space<vmem>> -> memref<128xi32, #tpu.memory_space<vmem>>
        %dma_wait3A_254 = arith.constant 0 : i32
        %dma_wait3A_255 = arith.constant 0 : i32
        %dma_wait3A_256 = tpu.memref_slice %arg7[%dma_wait3A_254, %dma_wait3A_255] : memref<10112x128xf32, #tpu.memory_space<vmem_shared>> -> memref<10112x128xf32, #tpu.memory_space<vmem_shared>>
        tpu.wait_indirect_dma semaphore(%run_scoped3A_236 : memref<!tpu.dma_semaphore, #tpu.memory_space<semaphore_mem>>) src(%dma_wait3A_250 : memref<128x128xf32, #tpu.memory_space<vmem>>) dst(%dma_wait3A_256 : memref<10112x128xf32, #tpu.memory_space<vmem_shared>>)
        tpu.yield
      }) : () -> ()
      %dma_start3A_144 = arith.constant 5 : i32
      %dma_start3A_145 = arith.constant 1 : i32
      %dma_start3A_146 = arith.constant 0 : i32
      %dma_start3A_147 = arith.constant 0 : i32
      %dma_start3A_148 = tpu.memref_slice %arg10[%dma_start3A_145, %dma_start3A_146, %dma_start3A_147] : memref<2x128x128xf32, #tpu.memory_space<vmem>> -> memref<1x128x128xf32, #tpu.memory_space<vmem>>
      %dma_start3A_149 = tpu.memref_squeeze %dma_start3A_148 : memref<1x128x128xf32, #tpu.memory_space<vmem>> -> memref<128x128xf32, #tpu.memory_space<vmem>>
      %dma_start3A_150 = arith.constant 0 : i32
      %dma_start3A_151 = tpu.memref_slice %arg8[%dma_start3A_144, %dma_start3A_150] : memref<8x128xi32, #tpu.memory_space<vmem>> -> memref<1x128xi32, #tpu.memory_space<vmem>>
      %dma_start3A_152 = tpu.memref_squeeze %dma_start3A_151 : memref<1x128xi32, #tpu.memory_space<vmem>> -> memref<128xi32, #tpu.memory_space<vmem>>
      %dma_start3A_153 = arith.constant 0 : i32
      %dma_start3A_154 = arith.constant 0 : i32
      %dma_start3A_155 = tpu.memref_slice %arg4[%dma_start3A_153, %dma_start3A_154] : memref<10112x128xf32, #tpu.memory_space<hbm>> -> memref<10112x128xf32, #tpu.memory_space<hbm>>
      tpu.enqueue_indirect_dma source(%dma_start3A_155 : memref<10112x128xf32, #tpu.memory_space<hbm>>) target(%dma_start3A_149 : memref<128x128xf32, #tpu.memory_space<vmem>>) offsets(%dma_start3A_152 : memref<128xi32, #tpu.memory_space<vmem>>) semaphore(%arg12 : memref<!tpu.dma_semaphore, #tpu.memory_space<semaphore_mem>>)
      %dma_wait3A_156 = arith.constant 4 : i32
      %dma_wait3A_157 = arith.constant 0 : i32
      %dma_wait3A_158 = arith.constant 0 : i32
      %dma_wait3A_159 = arith.constant 0 : i32
      %dma_wait3A_160 = tpu.memref_slice %arg10[%dma_wait3A_157, %dma_wait3A_158, %dma_wait3A_159] : memref<2x128x128xf32, #tpu.memory_space<vmem>> -> memref<1x128x128xf32, #tpu.memory_space<vmem>>
      %dma_wait3A_161 = tpu.memref_squeeze %dma_wait3A_160 : memref<1x128x128xf32, #tpu.memory_space<vmem>> -> memref<128x128xf32, #tpu.memory_space<vmem>>
      %dma_wait3A_162 = arith.constant 0 : i32
      %dma_wait3A_163 = tpu.memref_slice %arg8[%dma_wait3A_156, %dma_wait3A_162] : memref<8x128xi32, #tpu.memory_space<vmem>> -> memref<1x128xi32, #tpu.memory_space<vmem>>
      %dma_wait3A_164 = tpu.memref_squeeze %dma_wait3A_163 : memref<1x128xi32, #tpu.memory_space<vmem>> -> memref<128xi32, #tpu.memory_space<vmem>>
      %dma_wait3A_165 = arith.constant 0 : i32
      %dma_wait3A_166 = arith.constant 0 : i32
      %dma_wait3A_167 = tpu.memref_slice %arg4[%dma_wait3A_165, %dma_wait3A_166] : memref<10112x128xf32, #tpu.memory_space<hbm>> -> memref<10112x128xf32, #tpu.memory_space<hbm>>
      tpu.wait_indirect_dma semaphore(%arg11 : memref<!tpu.dma_semaphore, #tpu.memory_space<semaphore_mem>>) src(%dma_wait3A_167 : memref<10112x128xf32, #tpu.memory_space<hbm>>) dst(%dma_wait3A_161 : memref<128x128xf32, #tpu.memory_space<vmem>>)
      %run_scoped3A_168 = arith.constant 0 : i32
      %run_scoped3A_169 = arith.constant 4 : i32
      "tpu.region"() ({
        %run_scoped3A_236 = tpu.sem_alloc : memref<!tpu.dma_semaphore, #tpu.memory_space<semaphore_mem>>
        %dma_start3A_237 = arith.constant 0 : i32
        %dma_start3A_238 = arith.constant 0 : i32
        %dma_start3A_239 = tpu.memref_slice %arg10[%run_scoped3A_168, %dma_start3A_237, %dma_start3A_238] : memref<2x128x128xf32, #tpu.memory_space<vmem>> -> memref<1x128x128xf32, #tpu.memory_space<vmem>>
        %dma_start3A_240 = tpu.memref_squeeze %dma_start3A_239 : memref<1x128x128xf32, #tpu.memory_space<vmem>> -> memref<128x128xf32, #tpu.memory_space<vmem>>
        %dma_start3A_241 = arith.constant 0 : i32
        %dma_start3A_242 = tpu.memref_slice %arg9[%run_scoped3A_169, %dma_start3A_241] : memref<8x128xi32, #tpu.memory_space<vmem>> -> memref<1x128xi32, #tpu.memory_space<vmem>>
        %dma_start3A_243 = tpu.memref_squeeze %dma_start3A_242 : memref<1x128xi32, #tpu.memory_space<vmem>> -> memref<128xi32, #tpu.memory_space<vmem>>
        %dma_start3A_244 = arith.constant 0 : i32
        %dma_start3A_245 = arith.constant 0 : i32
        %dma_start3A_246 = tpu.memref_slice %arg7[%dma_start3A_244, %dma_start3A_245] : memref<10112x128xf32, #tpu.memory_space<vmem_shared>> -> memref<10112x128xf32, #tpu.memory_space<vmem_shared>>
        tpu.enqueue_indirect_dma source(%dma_start3A_240 : memref<128x128xf32, #tpu.memory_space<vmem>>) target(%dma_start3A_246 : memref<10112x128xf32, #tpu.memory_space<vmem_shared>>) offsets(%dma_start3A_243 : memref<128xi32, #tpu.memory_space<vmem>>) semaphore(%run_scoped3A_236 : memref<!tpu.dma_semaphore, #tpu.memory_space<semaphore_mem>>) {add = true}
        %dma_wait3A_247 = arith.constant 0 : i32
        %dma_wait3A_248 = arith.constant 0 : i32
        %dma_wait3A_249 = tpu.memref_slice %arg10[%run_scoped3A_168, %dma_wait3A_247, %dma_wait3A_248] : memref<2x128x128xf32, #tpu.memory_space<vmem>> -> memref<1x128x128xf32, #tpu.memory_space<vmem>>
        %dma_wait3A_250 = tpu.memref_squeeze %dma_wait3A_249 : memref<1x128x128xf32, #tpu.memory_space<vmem>> -> memref<128x128xf32, #tpu.memory_space<vmem>>
        %dma_wait3A_251 = arith.constant 0 : i32
        %dma_wait3A_252 = tpu.memref_slice %arg9[%run_scoped3A_169, %dma_wait3A_251] : memref<8x128xi32, #tpu.memory_space<vmem>> -> memref<1x128xi32, #tpu.memory_space<vmem>>
        %dma_wait3A_253 = tpu.memref_squeeze %dma_wait3A_252 : memref<1x128xi32, #tpu.memory_space<vmem>> -> memref<128xi32, #tpu.memory_space<vmem>>
        %dma_wait3A_254 = arith.constant 0 : i32
        %dma_wait3A_255 = arith.constant 0 : i32
        %dma_wait3A_256 = tpu.memref_slice %arg7[%dma_wait3A_254, %dma_wait3A_255] : memref<10112x128xf32, #tpu.memory_space<vmem_shared>> -> memref<10112x128xf32, #tpu.memory_space<vmem_shared>>
        tpu.wait_indirect_dma semaphore(%run_scoped3A_236 : memref<!tpu.dma_semaphore, #tpu.memory_space<semaphore_mem>>) src(%dma_wait3A_250 : memref<128x128xf32, #tpu.memory_space<vmem>>) dst(%dma_wait3A_256 : memref<10112x128xf32, #tpu.memory_space<vmem_shared>>)
        tpu.yield
      }) : () -> ()
      %dma_start3A_170 = arith.constant 6 : i32
      %dma_start3A_171 = arith.constant 0 : i32
      %dma_start3A_172 = arith.constant 0 : i32
      %dma_start3A_173 = arith.constant 0 : i32
      %dma_start3A_174 = tpu.memref_slice %arg10[%dma_start3A_171, %dma_start3A_172, %dma_start3A_173] : memref<2x128x128xf32, #tpu.memory_space<vmem>> -> memref<1x128x128xf32, #tpu.memory_space<vmem>>
      %dma_start3A_175 = tpu.memref_squeeze %dma_start3A_174 : memref<1x128x128xf32, #tpu.memory_space<vmem>> -> memref<128x128xf32, #tpu.memory_space<vmem>>
      %dma_start3A_176 = arith.constant 0 : i32
      %dma_start3A_177 = tpu.memref_slice %arg8[%dma_start3A_170, %dma_start3A_176] : memref<8x128xi32, #tpu.memory_space<vmem>> -> memref<1x128xi32, #tpu.memory_space<vmem>>
      %dma_start3A_178 = tpu.memref_squeeze %dma_start3A_177 : memref<1x128xi32, #tpu.memory_space<vmem>> -> memref<128xi32, #tpu.memory_space<vmem>>
      %dma_start3A_179 = arith.constant 0 : i32
      %dma_start3A_180 = arith.constant 0 : i32
      %dma_start3A_181 = tpu.memref_slice %arg4[%dma_start3A_179, %dma_start3A_180] : memref<10112x128xf32, #tpu.memory_space<hbm>> -> memref<10112x128xf32, #tpu.memory_space<hbm>>
      tpu.enqueue_indirect_dma source(%dma_start3A_181 : memref<10112x128xf32, #tpu.memory_space<hbm>>) target(%dma_start3A_175 : memref<128x128xf32, #tpu.memory_space<vmem>>) offsets(%dma_start3A_178 : memref<128xi32, #tpu.memory_space<vmem>>) semaphore(%arg11 : memref<!tpu.dma_semaphore, #tpu.memory_space<semaphore_mem>>)
      %dma_wait3A_182 = arith.constant 5 : i32
      %dma_wait3A_183 = arith.constant 1 : i32
      %dma_wait3A_184 = arith.constant 0 : i32
      %dma_wait3A_185 = arith.constant 0 : i32
      %dma_wait3A_186 = tpu.memref_slice %arg10[%dma_wait3A_183, %dma_wait3A_184, %dma_wait3A_185] : memref<2x128x128xf32, #tpu.memory_space<vmem>> -> memref<1x128x128xf32, #tpu.memory_space<vmem>>
      %dma_wait3A_187 = tpu.memref_squeeze %dma_wait3A_186 : memref<1x128x128xf32, #tpu.memory_space<vmem>> -> memref<128x128xf32, #tpu.memory_space<vmem>>
      %dma_wait3A_188 = arith.constant 0 : i32
      %dma_wait3A_189 = tpu.memref_slice %arg8[%dma_wait3A_182, %dma_wait3A_188] : memref<8x128xi32, #tpu.memory_space<vmem>> -> memref<1x128xi32, #tpu.memory_space<vmem>>
      %dma_wait3A_190 = tpu.memref_squeeze %dma_wait3A_189 : memref<1x128xi32, #tpu.memory_space<vmem>> -> memref<128xi32, #tpu.memory_space<vmem>>
      %dma_wait3A_191 = arith.constant 0 : i32
      %dma_wait3A_192 = arith.constant 0 : i32
      %dma_wait3A_193 = tpu.memref_slice %arg4[%dma_wait3A_191, %dma_wait3A_192] : memref<10112x128xf32, #tpu.memory_space<hbm>> -> memref<10112x128xf32, #tpu.memory_space<hbm>>
      tpu.wait_indirect_dma semaphore(%arg12 : memref<!tpu.dma_semaphore, #tpu.memory_space<semaphore_mem>>) src(%dma_wait3A_193 : memref<10112x128xf32, #tpu.memory_space<hbm>>) dst(%dma_wait3A_187 : memref<128x128xf32, #tpu.memory_space<vmem>>)
      %run_scoped3A_194 = arith.constant 1 : i32
      %run_scoped3A_195 = arith.constant 5 : i32
      "tpu.region"() ({
        %run_scoped3A_236 = tpu.sem_alloc : memref<!tpu.dma_semaphore, #tpu.memory_space<semaphore_mem>>
        %dma_start3A_237 = arith.constant 0 : i32
        %dma_start3A_238 = arith.constant 0 : i32
        %dma_start3A_239 = tpu.memref_slice %arg10[%run_scoped3A_194, %dma_start3A_237, %dma_start3A_238] : memref<2x128x128xf32, #tpu.memory_space<vmem>> -> memref<1x128x128xf32, #tpu.memory_space<vmem>>
        %dma_start3A_240 = tpu.memref_squeeze %dma_start3A_239 : memref<1x128x128xf32, #tpu.memory_space<vmem>> -> memref<128x128xf32, #tpu.memory_space<vmem>>
        %dma_start3A_241 = arith.constant 0 : i32
        %dma_start3A_242 = tpu.memref_slice %arg9[%run_scoped3A_195, %dma_start3A_241] : memref<8x128xi32, #tpu.memory_space<vmem>> -> memref<1x128xi32, #tpu.memory_space<vmem>>
        %dma_start3A_243 = tpu.memref_squeeze %dma_start3A_242 : memref<1x128xi32, #tpu.memory_space<vmem>> -> memref<128xi32, #tpu.memory_space<vmem>>
        %dma_start3A_244 = arith.constant 0 : i32
        %dma_start3A_245 = arith.constant 0 : i32
        %dma_start3A_246 = tpu.memref_slice %arg7[%dma_start3A_244, %dma_start3A_245] : memref<10112x128xf32, #tpu.memory_space<vmem_shared>> -> memref<10112x128xf32, #tpu.memory_space<vmem_shared>>
        tpu.enqueue_indirect_dma source(%dma_start3A_240 : memref<128x128xf32, #tpu.memory_space<vmem>>) target(%dma_start3A_246 : memref<10112x128xf32, #tpu.memory_space<vmem_shared>>) offsets(%dma_start3A_243 : memref<128xi32, #tpu.memory_space<vmem>>) semaphore(%run_scoped3A_236 : memref<!tpu.dma_semaphore, #tpu.memory_space<semaphore_mem>>) {add = true}
        %dma_wait3A_247 = arith.constant 0 : i32
        %dma_wait3A_248 = arith.constant 0 : i32
        %dma_wait3A_249 = tpu.memref_slice %arg10[%run_scoped3A_194, %dma_wait3A_247, %dma_wait3A_248] : memref<2x128x128xf32, #tpu.memory_space<vmem>> -> memref<1x128x128xf32, #tpu.memory_space<vmem>>
        %dma_wait3A_250 = tpu.memref_squeeze %dma_wait3A_249 : memref<1x128x128xf32, #tpu.memory_space<vmem>> -> memref<128x128xf32, #tpu.memory_space<vmem>>
        %dma_wait3A_251 = arith.constant 0 : i32
        %dma_wait3A_252 = tpu.memref_slice %arg9[%run_scoped3A_195, %dma_wait3A_251] : memref<8x128xi32, #tpu.memory_space<vmem>> -> memref<1x128xi32, #tpu.memory_space<vmem>>
        %dma_wait3A_253 = tpu.memref_squeeze %dma_wait3A_252 : memref<1x128xi32, #tpu.memory_space<vmem>> -> memref<128xi32, #tpu.memory_space<vmem>>
        %dma_wait3A_254 = arith.constant 0 : i32
        %dma_wait3A_255 = arith.constant 0 : i32
        %dma_wait3A_256 = tpu.memref_slice %arg7[%dma_wait3A_254, %dma_wait3A_255] : memref<10112x128xf32, #tpu.memory_space<vmem_shared>> -> memref<10112x128xf32, #tpu.memory_space<vmem_shared>>
        tpu.wait_indirect_dma semaphore(%run_scoped3A_236 : memref<!tpu.dma_semaphore, #tpu.memory_space<semaphore_mem>>) src(%dma_wait3A_250 : memref<128x128xf32, #tpu.memory_space<vmem>>) dst(%dma_wait3A_256 : memref<10112x128xf32, #tpu.memory_space<vmem_shared>>)
        tpu.yield
      }) : () -> ()
      %dma_start3A_196 = arith.constant 7 : i32
      %dma_start3A_197 = arith.constant 1 : i32
      %dma_start3A_198 = arith.constant 0 : i32
      %dma_start3A_199 = arith.constant 0 : i32
      %dma_start3A_200 = tpu.memref_slice %arg10[%dma_start3A_197, %dma_start3A_198, %dma_start3A_199] : memref<2x128x128xf32, #tpu.memory_space<vmem>> -> memref<1x128x128xf32, #tpu.memory_space<vmem>>
      %dma_start3A_201 = tpu.memref_squeeze %dma_start3A_200 : memref<1x128x128xf32, #tpu.memory_space<vmem>> -> memref<128x128xf32, #tpu.memory_space<vmem>>
      %dma_start3A_202 = arith.constant 0 : i32
      %dma_start3A_203 = tpu.memref_slice %arg8[%dma_start3A_196, %dma_start3A_202] : memref<8x128xi32, #tpu.memory_space<vmem>> -> memref<1x128xi32, #tpu.memory_space<vmem>>
      %dma_start3A_204 = tpu.memref_squeeze %dma_start3A_203 : memref<1x128xi32, #tpu.memory_space<vmem>> -> memref<128xi32, #tpu.memory_space<vmem>>
      %dma_start3A_205 = arith.constant 0 : i32
      %dma_start3A_206 = arith.constant 0 : i32
      %dma_start3A_207 = tpu.memref_slice %arg4[%dma_start3A_205, %dma_start3A_206] : memref<10112x128xf32, #tpu.memory_space<hbm>> -> memref<10112x128xf32, #tpu.memory_space<hbm>>
      tpu.enqueue_indirect_dma source(%dma_start3A_207 : memref<10112x128xf32, #tpu.memory_space<hbm>>) target(%dma_start3A_201 : memref<128x128xf32, #tpu.memory_space<vmem>>) offsets(%dma_start3A_204 : memref<128xi32, #tpu.memory_space<vmem>>) semaphore(%arg12 : memref<!tpu.dma_semaphore, #tpu.memory_space<semaphore_mem>>)
      %dma_wait3A_208 = arith.constant 6 : i32
      %dma_wait3A_209 = arith.constant 0 : i32
      %dma_wait3A_210 = arith.constant 0 : i32
      %dma_wait3A_211 = arith.constant 0 : i32
      %dma_wait3A_212 = tpu.memref_slice %arg10[%dma_wait3A_209, %dma_wait3A_210, %dma_wait3A_211] : memref<2x128x128xf32, #tpu.memory_space<vmem>> -> memref<1x128x128xf32, #tpu.memory_space<vmem>>
      %dma_wait3A_213 = tpu.memref_squeeze %dma_wait3A_212 : memref<1x128x128xf32, #tpu.memory_space<vmem>> -> memref<128x128xf32, #tpu.memory_space<vmem>>
      %dma_wait3A_214 = arith.constant 0 : i32
      %dma_wait3A_215 = tpu.memref_slice %arg8[%dma_wait3A_208, %dma_wait3A_214] : memref<8x128xi32, #tpu.memory_space<vmem>> -> memref<1x128xi32, #tpu.memory_space<vmem>>
      %dma_wait3A_216 = tpu.memref_squeeze %dma_wait3A_215 : memref<1x128xi32, #tpu.memory_space<vmem>> -> memref<128xi32, #tpu.memory_space<vmem>>
      %dma_wait3A_217 = arith.constant 0 : i32
      %dma_wait3A_218 = arith.constant 0 : i32
      %dma_wait3A_219 = tpu.memref_slice %arg4[%dma_wait3A_217, %dma_wait3A_218] : memref<10112x128xf32, #tpu.memory_space<hbm>> -> memref<10112x128xf32, #tpu.memory_space<hbm>>
      tpu.wait_indirect_dma semaphore(%arg11 : memref<!tpu.dma_semaphore, #tpu.memory_space<semaphore_mem>>) src(%dma_wait3A_219 : memref<10112x128xf32, #tpu.memory_space<hbm>>) dst(%dma_wait3A_213 : memref<128x128xf32, #tpu.memory_space<vmem>>)
      %run_scoped3A_220 = arith.constant 0 : i32
      %run_scoped3A_221 = arith.constant 6 : i32
      "tpu.region"() ({
        %run_scoped3A_236 = tpu.sem_alloc : memref<!tpu.dma_semaphore, #tpu.memory_space<semaphore_mem>>
        %dma_start3A_237 = arith.constant 0 : i32
        %dma_start3A_238 = arith.constant 0 : i32
        %dma_start3A_239 = tpu.memref_slice %arg10[%run_scoped3A_220, %dma_start3A_237, %dma_start3A_238] : memref<2x128x128xf32, #tpu.memory_space<vmem>> -> memref<1x128x128xf32, #tpu.memory_space<vmem>>
        %dma_start3A_240 = tpu.memref_squeeze %dma_start3A_239 : memref<1x128x128xf32, #tpu.memory_space<vmem>> -> memref<128x128xf32, #tpu.memory_space<vmem>>
        %dma_start3A_241 = arith.constant 0 : i32
        %dma_start3A_242 = tpu.memref_slice %arg9[%run_scoped3A_221, %dma_start3A_241] : memref<8x128xi32, #tpu.memory_space<vmem>> -> memref<1x128xi32, #tpu.memory_space<vmem>>
        %dma_start3A_243 = tpu.memref_squeeze %dma_start3A_242 : memref<1x128xi32, #tpu.memory_space<vmem>> -> memref<128xi32, #tpu.memory_space<vmem>>
        %dma_start3A_244 = arith.constant 0 : i32
        %dma_start3A_245 = arith.constant 0 : i32
        %dma_start3A_246 = tpu.memref_slice %arg7[%dma_start3A_244, %dma_start3A_245] : memref<10112x128xf32, #tpu.memory_space<vmem_shared>> -> memref<10112x128xf32, #tpu.memory_space<vmem_shared>>
        tpu.enqueue_indirect_dma source(%dma_start3A_240 : memref<128x128xf32, #tpu.memory_space<vmem>>) target(%dma_start3A_246 : memref<10112x128xf32, #tpu.memory_space<vmem_shared>>) offsets(%dma_start3A_243 : memref<128xi32, #tpu.memory_space<vmem>>) semaphore(%run_scoped3A_236 : memref<!tpu.dma_semaphore, #tpu.memory_space<semaphore_mem>>) {add = true}
        %dma_wait3A_247 = arith.constant 0 : i32
        %dma_wait3A_248 = arith.constant 0 : i32
        %dma_wait3A_249 = tpu.memref_slice %arg10[%run_scoped3A_220, %dma_wait3A_247, %dma_wait3A_248] : memref<2x128x128xf32, #tpu.memory_space<vmem>> -> memref<1x128x128xf32, #tpu.memory_space<vmem>>
        %dma_wait3A_250 = tpu.memref_squeeze %dma_wait3A_249 : memref<1x128x128xf32, #tpu.memory_space<vmem>> -> memref<128x128xf32, #tpu.memory_space<vmem>>
        %dma_wait3A_251 = arith.constant 0 : i32
        %dma_wait3A_252 = tpu.memref_slice %arg9[%run_scoped3A_221, %dma_wait3A_251] : memref<8x128xi32, #tpu.memory_space<vmem>> -> memref<1x128xi32, #tpu.memory_space<vmem>>
        %dma_wait3A_253 = tpu.memref_squeeze %dma_wait3A_252 : memref<1x128xi32, #tpu.memory_space<vmem>> -> memref<128xi32, #tpu.memory_space<vmem>>
        %dma_wait3A_254 = arith.constant 0 : i32
        %dma_wait3A_255 = arith.constant 0 : i32
        %dma_wait3A_256 = tpu.memref_slice %arg7[%dma_wait3A_254, %dma_wait3A_255] : memref<10112x128xf32, #tpu.memory_space<vmem_shared>> -> memref<10112x128xf32, #tpu.memory_space<vmem_shared>>
        tpu.wait_indirect_dma semaphore(%run_scoped3A_236 : memref<!tpu.dma_semaphore, #tpu.memory_space<semaphore_mem>>) src(%dma_wait3A_250 : memref<128x128xf32, #tpu.memory_space<vmem>>) dst(%dma_wait3A_256 : memref<10112x128xf32, #tpu.memory_space<vmem_shared>>)
        tpu.yield
      }) : () -> ()
      %dma_wait3A_222 = arith.constant 7 : i32
      %dma_wait3A_223 = arith.constant 1 : i32
      %dma_wait3A_224 = arith.constant 0 : i32
      %dma_wait3A_225 = arith.constant 0 : i32
      %dma_wait3A_226 = tpu.memref_slice %arg10[%dma_wait3A_223, %dma_wait3A_224, %dma_wait3A_225] : memref<2x128x128xf32, #tpu.memory_space<vmem>> -> memref<1x128x128xf32, #tpu.memory_space<vmem>>
      %dma_wait3A_227 = tpu.memref_squeeze %dma_wait3A_226 : memref<1x128x128xf32, #tpu.memory_space<vmem>> -> memref<128x128xf32, #tpu.memory_space<vmem>>
      %dma_wait3A_228 = arith.constant 0 : i32
      %dma_wait3A_229 = tpu.memref_slice %arg8[%dma_wait3A_222, %dma_wait3A_228] : memref<8x128xi32, #tpu.memory_space<vmem>> -> memref<1x128xi32, #tpu.memory_space<vmem>>
      %dma_wait3A_230 = tpu.memref_squeeze %dma_wait3A_229 : memref<1x128xi32, #tpu.memory_space<vmem>> -> memref<128xi32, #tpu.memory_space<vmem>>
      %dma_wait3A_231 = arith.constant 0 : i32
      %dma_wait3A_232 = arith.constant 0 : i32
      %dma_wait3A_233 = tpu.memref_slice %arg4[%dma_wait3A_231, %dma_wait3A_232] : memref<10112x128xf32, #tpu.memory_space<hbm>> -> memref<10112x128xf32, #tpu.memory_space<hbm>>
      tpu.wait_indirect_dma semaphore(%arg12 : memref<!tpu.dma_semaphore, #tpu.memory_space<semaphore_mem>>) src(%dma_wait3A_233 : memref<10112x128xf32, #tpu.memory_space<hbm>>) dst(%dma_wait3A_227 : memref<128x128xf32, #tpu.memory_space<vmem>>)
      %run_scoped3A_234 = arith.constant 1 : i32
      %run_scoped3A_235 = arith.constant 7 : i32
      "tpu.region"() ({
        %run_scoped3A_236 = tpu.sem_alloc : memref<!tpu.dma_semaphore, #tpu.memory_space<semaphore_mem>>
        %dma_start3A_237 = arith.constant 0 : i32
        %dma_start3A_238 = arith.constant 0 : i32
        %dma_start3A_239 = tpu.memref_slice %arg10[%run_scoped3A_234, %dma_start3A_237, %dma_start3A_238] : memref<2x128x128xf32, #tpu.memory_space<vmem>> -> memref<1x128x128xf32, #tpu.memory_space<vmem>>
        %dma_start3A_240 = tpu.memref_squeeze %dma_start3A_239 : memref<1x128x128xf32, #tpu.memory_space<vmem>> -> memref<128x128xf32, #tpu.memory_space<vmem>>
        %dma_start3A_241 = arith.constant 0 : i32
        %dma_start3A_242 = tpu.memref_slice %arg9[%run_scoped3A_235, %dma_start3A_241] : memref<8x128xi32, #tpu.memory_space<vmem>> -> memref<1x128xi32, #tpu.memory_space<vmem>>
        %dma_start3A_243 = tpu.memref_squeeze %dma_start3A_242 : memref<1x128xi32, #tpu.memory_space<vmem>> -> memref<128xi32, #tpu.memory_space<vmem>>
        %dma_start3A_244 = arith.constant 0 : i32
        %dma_start3A_245 = arith.constant 0 : i32
        %dma_start3A_246 = tpu.memref_slice %arg7[%dma_start3A_244, %dma_start3A_245] : memref<10112x128xf32, #tpu.memory_space<vmem_shared>> -> memref<10112x128xf32, #tpu.memory_space<vmem_shared>>
        tpu.enqueue_indirect_dma source(%dma_start3A_240 : memref<128x128xf32, #tpu.memory_space<vmem>>) target(%dma_start3A_246 : memref<10112x128xf32, #tpu.memory_space<vmem_shared>>) offsets(%dma_start3A_243 : memref<128xi32, #tpu.memory_space<vmem>>) semaphore(%run_scoped3A_236 : memref<!tpu.dma_semaphore, #tpu.memory_space<semaphore_mem>>) {add = true}
        %dma_wait3A_247 = arith.constant 0 : i32
        %dma_wait3A_248 = arith.constant 0 : i32
        %dma_wait3A_249 = tpu.memref_slice %arg10[%run_scoped3A_234, %dma_wait3A_247, %dma_wait3A_248] : memref<2x128x128xf32, #tpu.memory_space<vmem>> -> memref<1x128x128xf32, #tpu.memory_space<vmem>>
        %dma_wait3A_250 = tpu.memref_squeeze %dma_wait3A_249 : memref<1x128x128xf32, #tpu.memory_space<vmem>> -> memref<128x128xf32, #tpu.memory_space<vmem>>
        %dma_wait3A_251 = arith.constant 0 : i32
        %dma_wait3A_252 = tpu.memref_slice %arg9[%run_scoped3A_235, %dma_wait3A_251] : memref<8x128xi32, #tpu.memory_space<vmem>> -> memref<1x128xi32, #tpu.memory_space<vmem>>
        %dma_wait3A_253 = tpu.memref_squeeze %dma_wait3A_252 : memref<1x128xi32, #tpu.memory_space<vmem>> -> memref<128xi32, #tpu.memory_space<vmem>>
        %dma_wait3A_254 = arith.constant 0 : i32
        %dma_wait3A_255 = arith.constant 0 : i32
        %dma_wait3A_256 = tpu.memref_slice %arg7[%dma_wait3A_254, %dma_wait3A_255] : memref<10112x128xf32, #tpu.memory_space<vmem_shared>> -> memref<10112x128xf32, #tpu.memory_space<vmem_shared>>
        tpu.wait_indirect_dma semaphore(%run_scoped3A_236 : memref<!tpu.dma_semaphore, #tpu.memory_space<semaphore_mem>>) src(%dma_wait3A_250 : memref<128x128xf32, #tpu.memory_space<vmem>>) dst(%dma_wait3A_256 : memref<10112x128xf32, #tpu.memory_space<vmem_shared>>)
        tpu.yield
      }) : () -> ()
    }
    %barrier3A_21 = arith.constant 0 : index
    tpu.barrier barrier_id(%barrier3A_21)
    %mul3A_22 = arith.constant 632 : i32
    %mul3A_23 = arith.muli %arg1, %mul3A_22 : i32
    %mul3A_24 = arith.constant 632 : i32
    %mul3A_25 = arith.muli %arg1, %mul3A_24 : i32
    "tpu.region"() ({
      %run_scoped3A = tpu.sem_alloc : memref<!tpu.dma_semaphore, #tpu.memory_space<semaphore_mem>>
      %dma_start3A = arith.constant 0 : i32
      %dma_start3A_26 = tpu.memref_slice %arg6[%arg0, %mul3A_25, %dma_start3A] : memref<2x10112x128xf32, #tpu.memory_space<hbm>> -> memref<1x632x128xf32, #tpu.memory_space<hbm>>
      %dma_start3A_27 = tpu.memref_squeeze %dma_start3A_26 : memref<1x632x128xf32, #tpu.memory_space<hbm>> -> memref<632x128xf32, #tpu.memory_space<hbm>>
      %dma_start3A_28 = arith.constant 0 : i32
      %dma_start3A_29 = tpu.memref_slice %arg7[%mul3A_23, %dma_start3A_28] : memref<10112x128xf32, #tpu.memory_space<vmem_shared>> -> memref<632x128xf32, #tpu.memory_space<vmem_shared>>
      tpu.enqueue_dma source(%dma_start3A_29 : memref<632x128xf32, #tpu.memory_space<vmem_shared>>) target(%dma_start3A_27 : memref<632x128xf32, #tpu.memory_space<hbm>>) target_semaphore(%run_scoped3A : memref<!tpu.dma_semaphore, #tpu.memory_space<semaphore_mem>>)
      %dma_wait3A = arith.constant 0 : i32
      %dma_wait3A_30 = tpu.memref_slice %arg6[%arg0, %mul3A_25, %dma_wait3A] : memref<2x10112x128xf32, #tpu.memory_space<hbm>> -> memref<1x632x128xf32, #tpu.memory_space<hbm>>
      %dma_wait3A_31 = tpu.memref_squeeze %dma_wait3A_30 : memref<1x632x128xf32, #tpu.memory_space<hbm>> -> memref<632x128xf32, #tpu.memory_space<hbm>>
      %dma_wait3A_32 = arith.constant 0 : i32
      %dma_wait3A_33 = tpu.memref_slice %arg7[%mul3A_23, %dma_wait3A_32] : memref<10112x128xf32, #tpu.memory_space<vmem_shared>> -> memref<632x128xf32, #tpu.memory_space<vmem_shared>>
      tpu.wait_dma2 semaphore(%run_scoped3A : memref<!tpu.dma_semaphore, #tpu.memory_space<semaphore_mem>>) src(%dma_wait3A_33 : memref<632x128xf32, #tpu.memory_space<vmem_shared>>) dst(%dma_wait3A_31 : memref<632x128xf32, #tpu.memory_space<hbm>>)
      tpu.yield
    }) : () -> ()
    return
  }
}

module attributes {stable_mosaic.version = 14 : i64} {
  func.func @body(%arg0: memref<10112x128xf32, #tpu.memory_space<vmem>>, %arg1: memref<128x128xf32, #tpu.memory_space<vmem>>, %arg2: memref<2x79x128xf32, #tpu.memory_space<vmem>>, %arg3: memref<10112x128xf32, #tpu.memory_space<vmem>>, %arg4: memref<79x128xf32, #tpu.memory_space<vmem>>) attributes {dimension_semantics = [], scalar_prefetch = 0 : i64, scratch_operands = 0 : i64, tpu.core_type = #tpu.core_type<tc>} {
    %get3A = arith.constant 0 : index
    %get3A_0 = arith.constant 0 : index
    %get3A_1 = vector.load %arg0[%get3A, %get3A_0] : memref<10112x128xf32, #tpu.memory_space<vmem>>, vector<10112x128xf32>
    %get3A_2 = arith.constant 0 : index
    %get3A_3 = arith.constant 0 : index
    %get3A_4 = vector.load %arg1[%get3A_2, %get3A_3] : memref<128x128xf32, #tpu.memory_space<vmem>>, vector<128x128xf32>
    %dot_general3A = arith.constant dense<0.000000e+00> : vector<10112x128xf32>
    %dot_general3A_5 = tpu.matmul %get3A_1, %get3A_4, %dot_general3A {dimension_numbers = #tpu.dot_dimension_numbers<[1], [0], [0], [1], [0, 0, 1, 1], [], []>, transpose_lhs_hint = false} : vector<10112x128xf32>, vector<128x128xf32>, vector<10112x128xf32> -> vector<10112x128xf32>
    %get3A_6 = arith.constant 0 : index
    %get3A_7 = arith.constant 0 : index
    %get3A_8 = arith.constant 0 : index
    %get3A_9 = vector.load %arg2[%get3A_6, %get3A_7, %get3A_8] : memref<2x79x128xf32, #tpu.memory_space<vmem>>, vector<1x79x128xf32>
    %get3A_10 = vector.shape_cast %get3A_9 : vector<1x79x128xf32> to vector<79x128xf32>
    %get3A_11 = arith.constant 1 : index
    %get3A_12 = arith.constant 0 : index
    %get3A_13 = arith.constant 0 : index
    %get3A_14 = vector.load %arg2[%get3A_11, %get3A_12, %get3A_13] : memref<2x79x128xf32, #tpu.memory_space<vmem>>, vector<1x79x128xf32>
    %get3A_15 = vector.shape_cast %get3A_14 : vector<1x79x128xf32> to vector<79x128xf32>
    %add3A = arith.addf %get3A_10, %get3A_15 : vector<79x128xf32>
    %add3A_16 = arith.constant 1.000000e+00 : f32
    %add3A_17 = vector.broadcast %add3A_16 : f32 to vector<79x128xf32>
    %add3A_18 = arith.addf %add3A, %add3A_17 : vector<79x128xf32>
    %rsqrt3A = math.rsqrt %add3A_18 : vector<79x128xf32>
    %swap3A = arith.constant 0 : index
    %swap3A_19 = arith.constant 0 : index
    %swap3A_20 = vector.load %arg4[%swap3A, %swap3A_19] : memref<79x128xf32, #tpu.memory_space<vmem>>, vector<79x128xf32>
    tpu.vector_store %arg4[%swap3A, %swap3A_19], %rsqrt3A {strides = array<i32>} : memref<79x128xf32, #tpu.memory_space<vmem>>, vector<79x128xf32>,
    %reshape3A = vector.shape_cast %dot_general3A_5 : vector<10112x128xf32> to vector<79x128x128xf32>
    %broadcast_in_dim3A = vector.shape_cast %rsqrt3A : vector<79x128xf32> to vector<79x128x1xf32>
    %mul3A = vector.broadcast %broadcast_in_dim3A : vector<79x128x1xf32> to vector<79x128x128xf32>
    %mul3A_21 = arith.mulf %reshape3A, %mul3A : vector<79x128x128xf32>
    %reshape3A_22 = vector.shape_cast %mul3A_21 : vector<79x128x128xf32> to vector<10112x128xf32>
    %swap3A_23 = arith.constant 0 : index
    %swap3A_24 = arith.constant 0 : index
    %swap3A_25 = vector.load %arg3[%swap3A_23, %swap3A_24] : memref<10112x128xf32, #tpu.memory_space<vmem>>, vector<10112x128xf32>
    tpu.vector_store %arg3[%swap3A_23, %swap3A_24], %reshape3A_22 {strides = array<i32>} : memref<10112x128xf32, #tpu.memory_space<vmem>>, vector<10112x128xf32>,
    return
  }
}

module attributes {stable_mosaic.version = 14 : i64} {
  func.func @body(%arg0: memref<2x10112x128xf32, #tpu.memory_space<vmem>>, %arg1: memref<79x128xf32, #tpu.memory_space<vmem>>, %arg2: memref<128xf32, #tpu.memory_space<vmem>>, %arg3: memref<10112x128xf32, #tpu.memory_space<vmem>>) attributes {dimension_semantics = [], scalar_prefetch = 0 : i64, scratch_operands = 0 : i64, tpu.core_type = #tpu.core_type<tc>} {
    %get3A = arith.constant 0 : index
    %get3A_0 = arith.constant 0 : index
    %get3A_1 = arith.constant 0 : index
    %get3A_2 = vector.load %arg0[%get3A, %get3A_0, %get3A_1] : memref<2x10112x128xf32, #tpu.memory_space<vmem>>, vector<1x10112x128xf32>
    %get3A_3 = vector.shape_cast %get3A_2 : vector<1x10112x128xf32> to vector<10112x128xf32>
    %get3A_4 = arith.constant 1 : index
    %get3A_5 = arith.constant 0 : index
    %get3A_6 = arith.constant 0 : index
    %get3A_7 = vector.load %arg0[%get3A_4, %get3A_5, %get3A_6] : memref<2x10112x128xf32, #tpu.memory_space<vmem>>, vector<1x10112x128xf32>
    %get3A_8 = vector.shape_cast %get3A_7 : vector<1x10112x128xf32> to vector<10112x128xf32>
    %add3A = arith.addf %get3A_3, %get3A_8 : vector<10112x128xf32>
    %reshape3A = vector.shape_cast %add3A : vector<10112x128xf32> to vector<79x128x128xf32>
    %get3A_9 = arith.constant 0 : index
    %get3A_10 = arith.constant 0 : index
    %get3A_11 = vector.load %arg1[%get3A_9, %get3A_10] : memref<79x128xf32, #tpu.memory_space<vmem>>, vector<79x128xf32>
    %broadcast_in_dim3A = vector.shape_cast %get3A_11 : vector<79x128xf32> to vector<79x128x1xf32>
    %mul3A = vector.broadcast %broadcast_in_dim3A : vector<79x128x1xf32> to vector<79x128x128xf32>
    %mul3A_12 = arith.mulf %reshape3A, %mul3A : vector<79x128x128xf32>
    %get3A_13 = arith.constant 0 : index
    %get3A_14 = vector.load %arg2[%get3A_13] : memref<128xf32, #tpu.memory_space<vmem>>, vector<128xf32>
    %broadcast_in_dim3A_15 = vector.shape_cast %get3A_14 : vector<128xf32> to vector<1x1x128xf32>
    %add3A_16 = vector.broadcast %broadcast_in_dim3A_15 : vector<1x1x128xf32> to vector<79x128x128xf32>
    %add3A_17 = arith.addf %mul3A_12, %add3A_16 : vector<79x128x128xf32>
    %reshape3A_18 = vector.shape_cast %add3A_17 : vector<79x128x128xf32> to vector<10112x128xf32>
    %swap3A = arith.constant 0 : index
    %swap3A_19 = arith.constant 0 : index
    %swap3A_20 = vector.load %arg3[%swap3A, %swap3A_19] : memref<10112x128xf32, #tpu.memory_space<vmem>>, vector<10112x128xf32>
    tpu.vector_store %arg3[%swap3A, %swap3A_19], %reshape3A_18 {strides = array<i32>} : memref<10112x128xf32, #tpu.memory_space<vmem>>, vector<10112x128xf32>,
    return
  }
}

</mosaic_0001>

<sc_bundles>
// kernel: kernel.6.cloned.1.call-start
scs
__scs_entry_jumppad:
0x0: {  	(pc) =	sbr.rel $0x88, $3  }
0x1: {  	(tag) =	ssettag $0x0;
	lr =	simm.s32 $0x1  }
0x2: {  	[smem:$0x3F9D] =	sst lr;
	_ =	strace $0xD0000000  }
0x3: {  	_ = 	snop  }
0x4: {  	_ = 	snop  }
0x5: {  	_ = 	snop  }
0x6: {  	_ = 	snop  }
0x7: {  	_ = 	snop  }
__scs_overlays_trampoline_lowered:
0x8: {  	[smem:$0x3FAC] =	sst s0  }
0x9: {  	[smem:$0x3FAD] =	sst s1  }
0xa: {  	[smem:$0x3FAE] =	sst s2  }
0xb: {  	[smem:$0x3FAF] =	sst s3  }
0xc: {  	[smem:$0x3FB0] =	sst s4  }
0xd: {  	[smem:$0x3FB1] =	sst s5  }
0xe: {  	[smem:$0x3FB2] =	sst s6  }
0xf: {  	[smem:$0x3FB3] =	sst s7  }
0x10: {  	[smem:$0x3FB4] =	sst s8  }
0x11: {  	[smem:$0x3FB5] =	sst s9;
	s0 =	simm.s32 @!p0 $0x0  }
0x12: {  	s1 =	sld [smem:$0x3F9B];
	s0 =	simm.s32 @p0 $0x1  }
0x13: {  	[smem:$0x3FB6] =	sst s0;
	s0 =	simm.s32 @!p1 $0x0  }
0x14: {  	s2 =	sld [smem:$0x3F9A];
	s0 =	simm.s32 @p1 $0x1  }
0x15: {  	[smem:$0x3FB7] =	sst s0;
	s0 =	simm.s32 @!p2 $0x0  }
0x16: {  	s3 =	sld [smem:$0x3FDB];
	s0 =	simm.s32 @p2 $0x1  }
0x17: {  	s4 =	simm.s32 $0x1BF5;
	[smem:$0x3FB9] =	sst s0  }
0x18: {  	s0 =	sld [smem:$0x3F9C];
	_ =	swait.ge [sflag:s4], $0x0  }
0x19: {  	s7 =	sld [smem:$0x3F9D]  }
0x1a: {  	s8 =	sadd.s32 $0xFFFFE003, lr  }
0x1b: {  	s9 =	sadd.s32 $0xFFFFFEF7, lr;
	s5 =	simm.s32 $0xFFFFFFFF;
	p2 =	slt.u32 s8, $0xFFFFF086  }
0x1c: {  	p1 =	slt.u32 s9, $0xF7A;
	s5 =	simm.s32 @!p2 $0x0  }
0x1d: {  	s5 =	simm.s32 @p1 $0x1;
	p0 =	seq.s32 s7, s2  }
0x1e: {  	s7 =	smul.u32 @!p0 $0xF7A, s2;
	p2 =	seq.s32 @!p0 s5, $0x0  }
0x1f: {  	s9 =	smul.u32 $0xF7A, s1;
	s8 =	simm.s32 @!p0 $0x1BF5;
	p2 =	por !p2, p0  }
0x20: {  	[sflag:s8] =	ssyncset.s32 @!p0 $0xFFFFF086;
	s6 =	sadd.s32 @!p0 s3, s7;
	s7 =	simm.s32 @!p0 $0x108  }
0x21: {  	s3 =	sadd.s32 s3, s9;
	s6 =	sadd.s32 @!p0 $0x88, s6;
	s7 =	simm.s32 @p2 $0x1082  }
0x22: {  	[simem:s7], [sflag:s8] =	dma.local @!p0 [hbm:s6], $0xF7A  }
0x23: {  	s9 =	sor.u32 $0xD0000000, s2;
	s6 =	simm.s32 $0x108;
	_ =	swait.ge @!p0 [sflag:s8], $0x0  }
0x24: {  	s3 =	sadd.s32 $0x88, s3;
	s6 =	simm.s32 @!p1 $0x1082;
	[sflag:s4] =	ssyncset.s32 $0xFFFFF086  }
0x25: {  	[simem:s6], [sflag:s4] =	dma.local [hbm:s3], $0xF7A  }
0x26: {  	[smem:$0x3F9D] =	sst s1;
	(tag) =	ssettag s2;
	_ =	strace s9  }
0x27: {  	s1 =	sld [smem:$0x3FAD]  }
0x28: {  	s2 =	sld [smem:$0x3FAE]  }
0x29: {  	s4 =	sld [smem:$0x3FB0]  }
0x2a: {  	p0 =	seq.s32 s5, $0x0;
	s5 =	sld [smem:$0x3FB1]  }
0x2b: {  	s6 =	sld [smem:$0x3FB2]  }
0x2c: {  	s7 =	sld [smem:$0x3FB3]  }
0x2d: {  	s3 =	simm.s32 $0x108;
	s8 =	sld [smem:$0x3FB4]  }
0x2e: {  	s3 =	simm.s32 @!p0 $0x1082;
	s9 =	sld [smem:$0x3FB5]  }
0x2f: {  	lr =	sadd.s32 s0, s3;
	s0 =	sld [smem:$0x3FAC]  }
0x30: {  	s3 =	sld [smem:$0x3FAF]  }
0x31: {  	[smem:$0x3FB8] =	sst s10  }
0x32: {  	s10 =	sld [smem:$0x3FB6];
	_ =	sdelay $0x3  }
0x33: {  	p0 =	seq.s32 s10, $0x1;
	s10 =	sld [smem:$0x3FB8];
	_ =	sdelay $0x3  }
0x34: {  	[smem:$0x3FB8] =	sst s10  }
0x35: {  	s10 =	sld [smem:$0x3FB7];
	_ =	sdelay $0x3  }
0x36: {  	p1 =	seq.s32 s10, $0x1;
	s10 =	sld [smem:$0x3FB8];
	_ =	sdelay $0x3  }
0x37: {  	[smem:$0x3FB8] =	sst s10  }
0x38: {  	s10 =	sld [smem:$0x3FB9]  }
0x39: {  	_ = 	snop;
	(pc) =	sbr.ind lr, $3  }
0x3a: {  	_ = 	snop  }
0x3b: {  	_ = 	snop  }
0x3c: {  	p2 =	seq.s32 s10, $0x1;
	s10 =	sld [smem:$0x3FB8]  }
0x3d: {  	_ =	shalt  }
0x3e: {  	_ =	shalt  }
0x3f: {  	_ =	shalt  }
0x40: {  	_ =	shalt  }
0x41: {  	_ =	shalt  }
0x42: {  	_ =	shalt  }
0x43: {  	_ =	shalt  }
0x44: {  	_ =	shalt  }
0x45: {  	_ =	shalt  }
0x46: {  	_ =	shalt  }
0x47: {  	_ =	shalt  }
0x48: {  	_ =	shalt  }
0x49: {  	_ =	shalt  }
0x4a: {  	_ =	shalt  }
0x4b: {  	_ =	shalt  }
0x4c: {  	_ =	shalt  }
0x4d: {  	_ =	shalt  }
0x4e: {  	_ =	shalt  }
0x4f: {  	_ =	shalt  }
0x50: {  	_ =	shalt  }
0x51: {  	_ =	shalt  }
0x52: {  	_ =	shalt  }
0x53: {  	_ =	shalt  }
0x54: {  	_ =	shalt  }
0x55: {  	_ =	shalt  }
0x56: {  	_ =	shalt  }
0x57: {  	_ =	shalt  }
0x58: {  	_ =	shalt  }
0x59: {  	_ =	shalt  }
0x5a: {  	_ =	shalt  }
0x5b: {  	_ =	shalt  }
0x5c: {  	_ =	shalt  }
0x5d: {  	_ =	shalt  }
0x5e: {  	_ =	shalt  }
0x5f: {  	_ =	shalt  }
0x60: {  	_ =	shalt  }
0x61: {  	_ =	shalt  }
0x62: {  	_ =	shalt  }
0x63: {  	_ =	shalt  }
0x64: {  	_ =	shalt  }
0x65: {  	_ =	shalt  }
0x66: {  	_ =	shalt  }
0x67: {  	_ =	shalt  }
0x68: {  	_ =	shalt  }
0x69: {  	_ =	shalt  }
0x6a: {  	_ =	shalt  }
0x6b: {  	_ =	shalt  }
0x6c: {  	_ =	shalt  }
0x6d: {  	_ =	shalt  }
0x6e: {  	_ =	shalt  }
0x6f: {  	_ =	shalt  }
0x70: {  	_ =	shalt  }
0x71: {  	_ =	shalt  }
0x72: {  	_ =	shalt  }
0x73: {  	_ =	shalt  }
0x74: {  	_ =	shalt  }
0x75: {  	_ =	shalt  }
0x76: {  	_ =	shalt  }
0x77: {  	_ =	shalt  }
0x78: {  	_ =	shalt  }
0x79: {  	_ =	shalt  }
0x7a: {  	_ =	shalt  }
0x7b: {  	_ =	shalt  }
0x7c: {  	_ =	shalt  }
0x7d: {  	_ =	shalt  }
0x7e: {  	_ =	shalt  }
0x7f: {  	_ =	shalt  }
0x80: {  	_ =	shalt  }
0x81: {  	_ =	shalt  }
0x82: {  	_ =	shalt  }
0x83: {  	_ =	shalt  }
0x84: {  	_ =	shalt  }
0x85: {  	_ =	shalt  }
0x86: {  	_ =	shalt  }
0x87: {  	_ =	shalt  }
.Lfunc_end0:
.L_simem_size_0:
called_computation_lowered:
.L_overlay_start_0:
0x88: {  	s2 =	sld [smem:$0x3FD9]  }
0x89: {  	s3 =	sld [smem:$0x3FFE];
	_ =	sdelay $0x1  }
0x8a: {  	s1 =	srdreg.scid  }
0x8b: {  	s0 =	sand.u32 $0x1, s1  }
0x8c: {  	s16 =	sshll.u32 s0, $0xA;
	s2 =	sadd.s32 s3, s2  }
0x8d: {  	s2 =	sadd.s32 s2, s16  }
0x8e: {  	[smem:$0x3FC4] =	sst s2  }
0x8f: {  	_ = 	snop  }
0x90: {  	(tm) =	ssettm $0x1  }
0x91: {  	s17 =	sld [smem:$0x3FFB];
	_ =	sdelay $0x3  }
0x92: {  	_ =	strace s17  }
0x93: {  	s2 =	sld [smem:$0x3FFC];
	_ =	sdelay $0x3  }
0x94: {  	_ =	strace s2  }
0x95: {  	s2 =	sld [smem:$0x3FFD];
	_ =	sdelay $0x3  }
0x96: {  	_ =	strace s2  }
0x97: {  	_ =	strace $0x8FFFFFFF  }
0x98: {  	s18 =	sld [smem:$0x3FDB];
	_ =	sdelay $0x1  }
0x99: {  	s19 =	simm.s32 $_scs_section_size  }
0x9a: {  	s4 =	simm.s32 $_size__tile_overlayer_lowered;
	s5 =	simm.s32 $_tile_overlayer_lowered  }
0x9b: {  	s22 =	simm.s32 $0x1BFF;
	s21 =	sshll.u32 s5, $0x1;
	s2 =	sadd.s32 s19, s18  }
0x9c: {  	s6 =	simm.s32 $0x0;
	s20 =	sshll.u32 s4, $0x1;
	s4 =	sadd.s32 s21, s2  }
0x9d: {  	[timem:s6], [sflag:s22] =	dma.local [hbm:s4], s20  }
0x9e: {  	_ =	swait.ge [sflag:s22], s20  }
0x9f: {  	s3 =	ssub.s32 $0x0, s20;
	[sflag:s22] =	ssyncset.done $0x0  }
0xa0: {  	[sflag:s22] =	ssyncadd.s32 s3;
	_ =	sdelay $0x1  }
0xa1: {  	s23 =	simm.s32 $0x1B8B  }
0xa2: {  	_ =	swait.ge [sflag:s23], $0x1  }
0xa3: {  	[sflag:s23] =	ssyncset.done $0x0  }
0xa4: {  	s25 =	simm.s32 $0x1B8E;
	s24 =	sld [smem:$0x3FFE];
	[sflag:s23] =	ssyncadd.s32 $0xFFFFFFFF  }
0xa5: {  	s26 =	simm.s32 $execute0_lowered;
	[smem:$0x3FD2] =	sst s25  }
0xa6: {  	s4 =	sshll.u32 s26, $0x1;
	_ =	strace $0x80000046;
	[dreg:$0x1] =	wrdreg $0xFFFFFFFF  }
0xa7: {  	s28 =	simm.s32 $_size_execute0_lowered;
	s2 =	sadd.s32 s2, s4;
	[dreg:$0x0] =	wrdreg $0x0  }
0xa8: {  	s4 =	sshll.u32 s28, $0x1;
	[dreg:$0x2] =	wrdreg s2  }
0xa9: {  	[dreg:$0x3] =	wrdreg s4  }
0xaa: {  	[dreg:$0x4] =	wrdreg $0xC0  }
0xab: {  	_ =	task [dreg:s6], $0x5FFFF  }
0xac: {  	[dreg:$0x1] =	wrdreg $0xFFFFFFFF  }
0xad: {  	[dreg:$0x0] =	wrdreg $0x60  }
0xae: {  	[dreg:$0x2] =	wrdreg s24  }
0xaf: {  	[dreg:$0x3] =	wrdreg $0x0  }
0xb0: {  	[dreg:$0x4] =	wrdreg $0x9  }
0xb1: {  	_ =	task.clear_ibuf [dreg:s6], $0x5FFFF;
	_ =	strace $0x90000046  }
0xb2: {  	s29 =	simm.s32 $0x9;
	_ =	strace $0x80000048  }
0xb3: {  	_ =	swait.ge [sflag:s29], $0x1  }
0xb4: {  	[sflag:s29] =	ssyncadd.s32 $0xFFFFFFFF  }
0xb5: {  	_ =	strace $0x90000048  }
0xb6: {  	_ =	sfence  }
0xb7: {  	s30 =	sld [smem:$0x0];
	_ =	sdelay $0x2  }
0xb8: {  	s31 =	sshll.u32 s1, $0xD;
	s1 =	sshrl.u32 s1, $0x2  }
0xb9: {  	s3 =	sand.u32 $0x4000, s31;
	s1 =	sadd.s32 s1, s30  }
0xba: {  	s0 =	sor.u32 s3, s0;
	s1 =	sshll.u32 s1, $0x11  }
0xbb: {  	s0 =	sor.u32 s1, s0  }
0xbc: {  	s0 =	sadd.s32 $0x8F2B, s0  }
0xbd: {  	[sflag:s0] =	ssyncadd.remote.s32 $0x1  }
0xbe: {  	_ =	sfence.sel $0xFFFF  }
0xbf: {  	[dreg:$0x0] =	wrdreg $0xFFFFFFFF;
	(pc) =	sbr.abs _section_cstart, $3  }
0xc0: {  	[dreg:$0x1] =	wrdreg $0xFFFFFFFF  }
0xc1: {  	_ =	task.clear_ibuf [dreg:s6], $0x2FFFF;
	_ =	strace $0x9FFFFFFF  }
0xc2: {  	(tm) =	ssettm $0x7FFFFFFF  }
0xc3: {  	_ =	shalt  }
tec
execute0_lowered:
.L_overlay_start_1:
0x0: {  	(tag) =	ssettag $0x1  }
0x1: {  	s0 =	srdreg.scid;
	s4 =	rddreg [dreg:$0x0]  }
0x2: {  	s5 =	stileid.u32;
	s1 =	rddreg [dreg:$0x1];
	s2 =	simm.s32 $0x0  }
0x3: {  	s9 =	simm.s32 $0x2;
	s10 =	simm.s32 $0x80;
	s11 =	simm.s32 $0x2A78  }
0x4: {  	s12 =	simm.s32 $0x1;
	s3 =	sand.u32 $0x1, s0;
	s0 =	rddreg [dreg:$0x2]  }
0x5: {  	s13 =	simm.s32 $0x0;
	[smem:$0x7FF] =	sst s2;
	s6 =	sshll.u32 s3, $0x4  }
0x6: {  	p0 =	sne.s32 s5, $0x0;
	s8 =	ssub.s32 $0x2, s3;
	s7 =	sor.u32 s5, s6  }
0x7: {  	_ =	strace $0x80000047;
	s31 =	sshrl.u32 s8, $0x1;
	s7 =	smul.u32 $0x500, s7  }
0x8: {  	s3 =	sadd.s32 $0xB800, s4;
	s6 =	sadd.s32 s6, s4;
	s8 =	ssub.s32 s8, s31  }
0x9: {  	s5 =	sadd.s32 $0xBE00, s6;
	s6 =	smax.u32 s8, $0x1;
	s7 =	sadd.s32 s7, s4  }
0xa: {  	v0 =	vimm.f32 $1.000000000e+00;
	s8 =	simm.s32 $0x278;
	s4 =	sadd.s32 $0x1800, s7;
	s7 =	sshrl.u32 @!p0 s1, $0x3  }
.LBB2_1:
0xb: {  	[tilespmem:$0x2A78] =	vst v0  }
0xc: {  	[tilespmem:$0x2A88] =	vst v0  }
0xd: {  	[tilespmem:$0x2A98] =	vst v0  }
0xe: {  	[tilespmem:$0x2AA8] =	vst v0  }
0xf: {  	[tilespmem:$0x2AB8] =	vst v0  }
0x10: {  	[tilespmem:$0x2AC8] =	vst v0  }
0x11: {  	[tilespmem:$0x2AD8] =	vst v0  }
0x12: {  	[tilespmem:$0x2AE8] =	vst v0;
	s14 =	simm.s32 @!p0 $0x1C02  }
0x13: {  	[spmem:s7], [sflag:s14] =	dma.local @!p0 [hbm:s3], $0x4F0  }
0x14: {  	s14 =	simm.s32 @!p0 $0x2  }
0x15: {  	_ =	swait.ge @!p0 [sflag:s14], $0x4F0  }
0x16: {  	[sflag:s14] =	ssyncset.done @!p0 $0x0  }
0x17: {  	[sflag:s14] =	ssyncadd.s32 @!p0 $0xFFFFFB10  }
0x18: {  	[tilespmem:s8], [sflag:$0x2] =	stream.linear.gather [hbm4b:s4+s2], $0x2800, $0x38;
	[tilespmem:$0x2AF8] =	vst v63  }
0x19: {  	_ =	swait.ge [sflag:s9], $0x2800  }
0x1a: {  	[sflag:s9] =	ssyncset.done $0x0  }
0x1b: {  	[sflag:s9] =	ssyncadd.s32 $0xFFFFD800  }
0x1c: {  	s14 =	simm.s32 $0x0;
	[bflag:$0x0] =	sbarrier.arrive $0xFFFF  }
.LBB2_2:
0x1d: {  	p1 =	sne.s32 s14, $0x9E00  }
.Ltmp0:
0x1e: {  	_ = 	snop;
	(pc) =	sbr.rel @p1 .LBB2_2-.Ltmp0, $4  }
0x1f: {  	_ = 	snop  }
0x20: {  	s15 =	sshra.s32 s14, $0x2  }
0x21: {  	s14 =	sadd.s32 $0x200, s14;
	s15 =	sadd.s32 $0x278, s15  }
0x22: {  	[spmem:s1] =	stream.indirect.scatter.add.f32 [tilespmem:s11], [sflag:$0x1], $0x1, s15, s10, $0xb8;
	[tilespmem:$0x2AF8] =	vst v63  }
0x23: {  	_ =	swait.ge [sflag:s12], $0x80  }
0x24: {  	s14 =	simm.s32 $0x4F;
	[sflag:s12] =	ssyncset.done $0x0  }
.LBB2_4:
0x25: {  	p1 =	sne.s32 s14, $0x1;
	s14 =	sadd.s32 $0xFFFFFFFF, s14;
	[sflag:s12] =	ssyncadd.s32 $0xFFFFFF80  }
.Ltmp1:
0x26: {  	(pc) =	sbr.rel @p1 .LBB2_4-.Ltmp1, $3  }
0x27: {  	_ =	sdelay $0x1  }
0x28: {  	_ =	swait.ge [sflag:s12], $0x80  }
0x29: {  	[sflag:s12] =	ssyncset.done $0x0  }
0x2a: {  	[sflag:s12] =	ssyncadd.s32 $0xFFFFFF80;
	s14 =	simm.s32 @!p0 $0x1  }
0x2b: {  	s15 =	simm.s32 @!p0 $0x20;
	s16 =	simm.s32 @!p0 $0x10;
	s13 =	sadd.s32 $0x1, s13  }
0x2c: {  	s17 =	simm.s32 @!p0 $0x1C02;
	[bflag:$0x0] =	sbarrier.arrive $0xFFFF;
	p1 =	sne.s32 s13, s6  }
0x2d: {  	[hbm:s5@s15], [sflag:s17] =	dma.strided @!p0 [spmem:s7@s16], $0x4F0, s14, $0x10   }
.Ltmp2:
0x2e: {  	_ = 	snop;
	(pc) =	sbr.rel @p1 .LBB2_1-.Ltmp2, $4  }
0x2f: {  	s14 =	simm.s32 @!p0 $0x2  }
0x30: {  	_ =	swait.ge @!p0 [sflag:s14], $0x4F0  }
0x31: {  	[sflag:s14] =	ssyncset.done @!p0 $0x0  }
0x32: {  	[sflag:s14] =	ssyncadd.s32 @!p0 $0xFFFFFB10  }
0x33: {  	_ =	sfence.sel $0x180000  }
0x34: {  	[bflag:$0x0] =	sbarrier.arrive $0xFFFF  }
0x35: {  	_ =	strace $0x90000047  }
0x36: {  	s0 =	sadd.s32 @!p0 $0x100000, s0;
	[bflag:$0x2] =	sbarrier.arrive $0xFFFF  }
0x37: {  	[sflag:s0] =	ssyncadd.tile.s32 @!p0 $0x1;
	_ =	shalt  }
.Lfunc_end2:
_tile_overlayer_lowered:
.L_overlay_start_2:
0x38: {  	(tag) =	ssettag $0x2  }
0x39: {  	s0 =	rddreg [dreg:$0x0];
	s2 =	stileid.u32  }
0x3a: {  	s1 =	rddreg [dreg:$0x1];
	p0 =	sne.s32 s2, $0x0  }
0x3b: {  	s3 =	rddreg [dreg:$0x2];
	[bflag:$0x3] =	sbarrier.arrive $0xFFFF;
	s2 =	simm.s32 @!p0 $0x1C02  }
0x3c: {  	[timem:s3], [sflag:s2] =	dma.local @!p0 [hbm:s0], s1  }
0x3d: {  	s0 =	simm.s32 @!p0 $0x2  }
0x3e: {  	_ =	swait.ge @!p0 [sflag:s0], s1  }
0x3f: {  	s1 =	ssub.s32 @!p0 $0x0, s1;
	[sflag:s0] =	ssyncset.done @!p0 $0x0  }
0x40: {  	[sflag:s0] =	ssyncadd.s32 @!p0 s1  }
0x41: {  	[bflag:$0x3] =	sbarrier.arrive $0xFFFF  }
0x42: {  	_ =	shalt  }

// kernel: kernel.9.cloned.1.call-start
scs
__scs_entry_jumppad:
0x0: {  	(pc) =	sbr.rel $0x88, $3  }
0x1: {  	(tag) =	ssettag $0x0;
	lr =	simm.s32 $0x1  }
0x2: {  	[smem:$0x3F9D] =	sst lr;
	_ =	strace $0xD0000000  }
0x3: {  	_ = 	snop  }
0x4: {  	_ = 	snop  }
0x5: {  	_ = 	snop  }
0x6: {  	_ = 	snop  }
0x7: {  	_ = 	snop  }
__scs_overlays_trampoline_lowered:
0x8: {  	[smem:$0x3FAC] =	sst s0  }
0x9: {  	[smem:$0x3FAD] =	sst s1  }
0xa: {  	[smem:$0x3FAE] =	sst s2  }
0xb: {  	[smem:$0x3FAF] =	sst s3  }
0xc: {  	[smem:$0x3FB0] =	sst s4  }
0xd: {  	[smem:$0x3FB1] =	sst s5  }
0xe: {  	[smem:$0x3FB2] =	sst s6  }
0xf: {  	[smem:$0x3FB3] =	sst s7  }
0x10: {  	[smem:$0x3FB4] =	sst s8  }
0x11: {  	[smem:$0x3FB5] =	sst s9;
	s0 =	simm.s32 @!p0 $0x0  }
0x12: {  	s1 =	sld [smem:$0x3F9B];
	s0 =	simm.s32 @p0 $0x1  }
0x13: {  	[smem:$0x3FB6] =	sst s0;
	s0 =	simm.s32 @!p1 $0x0  }
0x14: {  	s2 =	sld [smem:$0x3F9A];
	s0 =	simm.s32 @p1 $0x1  }
0x15: {  	[smem:$0x3FB7] =	sst s0;
	s0 =	simm.s32 @!p2 $0x0  }
0x16: {  	s3 =	sld [smem:$0x3FDB];
	s0 =	simm.s32 @p2 $0x1  }
0x17: {  	s4 =	simm.s32 $0x1BF5;
	[smem:$0x3FB9] =	sst s0  }
0x18: {  	s0 =	sld [smem:$0x3F9C];
	_ =	swait.ge [sflag:s4], $0x0  }
0x19: {  	s7 =	sld [smem:$0x3F9D]  }
0x1a: {  	s8 =	sadd.s32 $0xFFFFE003, lr  }
0x1b: {  	s9 =	sadd.s32 $0xFFFFFEF7, lr;
	s5 =	simm.s32 $0xFFFFFFFF;
	p2 =	slt.u32 s8, $0xFFFFF086  }
0x1c: {  	p1 =	slt.u32 s9, $0xF7A;
	s5 =	simm.s32 @!p2 $0x0  }
0x1d: {  	s5 =	simm.s32 @p1 $0x1;
	p0 =	seq.s32 s7, s2  }
0x1e: {  	s7 =	smul.u32 @!p0 $0xF7A, s2;
	p2 =	seq.s32 @!p0 s5, $0x0  }
0x1f: {  	s9 =	smul.u32 $0xF7A, s1;
	s8 =	simm.s32 @!p0 $0x1BF5;
	p2 =	por !p2, p0  }
0x20: {  	[sflag:s8] =	ssyncset.s32 @!p0 $0xFFFFF086;
	s6 =	sadd.s32 @!p0 s3, s7;
	s7 =	simm.s32 @!p0 $0x108  }
0x21: {  	s3 =	sadd.s32 s3, s9;
	s6 =	sadd.s32 @!p0 $0x88, s6;
	s7 =	simm.s32 @p2 $0x1082  }
0x22: {  	[simem:s7], [sflag:s8] =	dma.local @!p0 [hbm:s6], $0xF7A  }
0x23: {  	s9 =	sor.u32 $0xD0000000, s2;
	s6 =	simm.s32 $0x108;
	_ =	swait.ge @!p0 [sflag:s8], $0x0  }
0x24: {  	s3 =	sadd.s32 $0x88, s3;
	s6 =	simm.s32 @!p1 $0x1082;
	[sflag:s4] =	ssyncset.s32 $0xFFFFF086  }
0x25: {  	[simem:s6], [sflag:s4] =	dma.local [hbm:s3], $0xF7A  }
0x26: {  	[smem:$0x3F9D] =	sst s1;
	(tag) =	ssettag s2;
	_ =	strace s9  }
0x27: {  	s1 =	sld [smem:$0x3FAD]  }
0x28: {  	s2 =	sld [smem:$0x3FAE]  }
0x29: {  	s4 =	sld [smem:$0x3FB0]  }
0x2a: {  	p0 =	seq.s32 s5, $0x0;
	s5 =	sld [smem:$0x3FB1]  }
0x2b: {  	s6 =	sld [smem:$0x3FB2]  }
0x2c: {  	s7 =	sld [smem:$0x3FB3]  }
0x2d: {  	s3 =	simm.s32 $0x108;
	s8 =	sld [smem:$0x3FB4]  }
0x2e: {  	s3 =	simm.s32 @!p0 $0x1082;
	s9 =	sld [smem:$0x3FB5]  }
0x2f: {  	lr =	sadd.s32 s0, s3;
	s0 =	sld [smem:$0x3FAC]  }
0x30: {  	s3 =	sld [smem:$0x3FAF]  }
0x31: {  	[smem:$0x3FB8] =	sst s10  }
0x32: {  	s10 =	sld [smem:$0x3FB6];
	_ =	sdelay $0x3  }
0x33: {  	p0 =	seq.s32 s10, $0x1;
	s10 =	sld [smem:$0x3FB8];
	_ =	sdelay $0x3  }
0x34: {  	[smem:$0x3FB8] =	sst s10  }
0x35: {  	s10 =	sld [smem:$0x3FB7];
	_ =	sdelay $0x3  }
0x36: {  	p1 =	seq.s32 s10, $0x1;
	s10 =	sld [smem:$0x3FB8];
	_ =	sdelay $0x3  }
0x37: {  	[smem:$0x3FB8] =	sst s10  }
0x38: {  	s10 =	sld [smem:$0x3FB9]  }
0x39: {  	_ = 	snop;
	(pc) =	sbr.ind lr, $3  }
0x3a: {  	_ = 	snop  }
0x3b: {  	_ = 	snop  }
0x3c: {  	p2 =	seq.s32 s10, $0x1;
	s10 =	sld [smem:$0x3FB8]  }
0x3d: {  	_ =	shalt  }
0x3e: {  	_ =	shalt  }
0x3f: {  	_ =	shalt  }
0x40: {  	_ =	shalt  }
0x41: {  	_ =	shalt  }
0x42: {  	_ =	shalt  }
0x43: {  	_ =	shalt  }
0x44: {  	_ =	shalt  }
0x45: {  	_ =	shalt  }
0x46: {  	_ =	shalt  }
0x47: {  	_ =	shalt  }
0x48: {  	_ =	shalt  }
0x49: {  	_ =	shalt  }
0x4a: {  	_ =	shalt  }
0x4b: {  	_ =	shalt  }
0x4c: {  	_ =	shalt  }
0x4d: {  	_ =	shalt  }
0x4e: {  	_ =	shalt  }
0x4f: {  	_ =	shalt  }
0x50: {  	_ =	shalt  }
0x51: {  	_ =	shalt  }
0x52: {  	_ =	shalt  }
0x53: {  	_ =	shalt  }
0x54: {  	_ =	shalt  }
0x55: {  	_ =	shalt  }
0x56: {  	_ =	shalt  }
0x57: {  	_ =	shalt  }
0x58: {  	_ =	shalt  }
0x59: {  	_ =	shalt  }
0x5a: {  	_ =	shalt  }
0x5b: {  	_ =	shalt  }
0x5c: {  	_ =	shalt  }
0x5d: {  	_ =	shalt  }
0x5e: {  	_ =	shalt  }
0x5f: {  	_ =	shalt  }
0x60: {  	_ =	shalt  }
0x61: {  	_ =	shalt  }
0x62: {  	_ =	shalt  }
0x63: {  	_ =	shalt  }
0x64: {  	_ =	shalt  }
0x65: {  	_ =	shalt  }
0x66: {  	_ =	shalt  }
0x67: {  	_ =	shalt  }
0x68: {  	_ =	shalt  }
0x69: {  	_ =	shalt  }
0x6a: {  	_ =	shalt  }
0x6b: {  	_ =	shalt  }
0x6c: {  	_ =	shalt  }
0x6d: {  	_ =	shalt  }
0x6e: {  	_ =	shalt  }
0x6f: {  	_ =	shalt  }
0x70: {  	_ =	shalt  }
0x71: {  	_ =	shalt  }
0x72: {  	_ =	shalt  }
0x73: {  	_ =	shalt  }
0x74: {  	_ =	shalt  }
0x75: {  	_ =	shalt  }
0x76: {  	_ =	shalt  }
0x77: {  	_ =	shalt  }
0x78: {  	_ =	shalt  }
0x79: {  	_ =	shalt  }
0x7a: {  	_ =	shalt  }
0x7b: {  	_ =	shalt  }
0x7c: {  	_ =	shalt  }
0x7d: {  	_ =	shalt  }
0x7e: {  	_ =	shalt  }
0x7f: {  	_ =	shalt  }
0x80: {  	_ =	shalt  }
0x81: {  	_ =	shalt  }
0x82: {  	_ =	shalt  }
0x83: {  	_ =	shalt  }
0x84: {  	_ =	shalt  }
0x85: {  	_ =	shalt  }
0x86: {  	_ =	shalt  }
0x87: {  	_ =	shalt  }
.Lfunc_end0:
.L_simem_size_0:
called_computation.1_lowered:
.L_overlay_start_0:
0x88: {  	s2 =	sld [smem:$0x3FD9]  }
0x89: {  	s3 =	sld [smem:$0x3FFE];
	_ =	sdelay $0x1  }
0x8a: {  	s1 =	srdreg.scid  }
0x8b: {  	s0 =	sand.u32 $0x1, s1  }
0x8c: {  	s17 =	sshll.u32 s0, $0xA;
	s2 =	sadd.s32 s3, s2  }
0x8d: {  	s2 =	sadd.s32 s2, s17  }
0x8e: {  	[smem:$0x3FC4] =	sst s2  }
0x8f: {  	_ = 	snop  }
0x90: {  	s2 =	sld [smem:$0x3FD0];
	(tm) =	ssettm $0x1  }
0x91: {  	s18 =	sld [smem:$0x3FFB];
	_ =	sdelay $0x3  }
0x92: {  	_ =	strace s18  }
0x93: {  	s3 =	sld [smem:$0x3FFC];
	_ =	sdelay $0x3  }
0x94: {  	_ =	strace s3  }
0x95: {  	s3 =	sld [smem:$0x3FFD];
	_ =	sdelay $0x3  }
0x96: {  	_ =	strace s3  }
0x97: {  	_ =	strace $0x8FFFFFFF  }
0x98: {  	s19 =	sld [smem:$0x3FDB];
	_ =	sdelay $0x1  }
0x99: {  	s4 =	simm.s32 $_scs_section_size  }
0x9a: {  	s5 =	simm.s32 $_size__tile_overlayer_lowered;
	s6 =	simm.s32 $_tile_overlayer_lowered  }
0x9b: {  	s22 =	simm.s32 $0x1BFF;
	s21 =	sshll.u32 s6, $0x1;
	s3 =	sadd.s32 s4, s19  }
0x9c: {  	s7 =	simm.s32 $0x0;
	s20 =	sshll.u32 s5, $0x1;
	s5 =	sadd.s32 s21, s3  }
0x9d: {  	[timem:s7], [sflag:s22] =	dma.local [hbm:s5], s20  }
0x9e: {  	_ =	swait.ge [sflag:s22], s20  }
0x9f: {  	s4 =	ssub.s32 $0x0, s20;
	[sflag:s22] =	ssyncset.done $0x0  }
0xa0: {  	[sflag:s22] =	ssyncadd.s32 s4;
	_ =	sdelay $0x1  }
0xa1: {  	s23 =	simm.s32 $0x1B8B  }
0xa2: {  	_ =	swait.ge [sflag:s23], $0x1  }
0xa3: {  	[sflag:s23] =	ssyncset.done $0x0  }
0xa4: {  	s25 =	simm.s32 $0x1B8E;
	s24 =	sld [smem:$0x3FFE];
	[sflag:s23] =	ssyncadd.s32 $0xFFFFFFFF  }
0xa5: {  	s26 =	simm.s32 $execute0_lowered;
	[smem:$0x3FD2] =	sst s25  }
0xa6: {  	s5 =	sshll.u32 s26, $0x1;
	_ =	strace $0x80000049;
	[dreg:$0x1] =	wrdreg $0xFFFFFFFF  }
0xa7: {  	s28 =	simm.s32 $_size_execute0_lowered;
	s3 =	sadd.s32 s3, s5;
	[dreg:$0x0] =	wrdreg $0x0  }
0xa8: {  	s5 =	sshll.u32 s28, $0x1;
	[dreg:$0x2] =	wrdreg s3  }
0xa9: {  	[dreg:$0x3] =	wrdreg s5  }
0xaa: {  	[dreg:$0x4] =	wrdreg $0xC0  }
0xab: {  	_ =	task [dreg:s7], $0x5FFFF  }
0xac: {  	[dreg:$0x1] =	wrdreg $0xFFFFFFFF  }
0xad: {  	[dreg:$0x0] =	wrdreg $0x60  }
0xae: {  	[dreg:$0x2] =	wrdreg s2  }
0xaf: {  	[dreg:$0x3] =	wrdreg s24  }
0xb0: {  	[dreg:$0x4] =	wrdreg $0x0  }
0xb1: {  	[dreg:$0x5] =	wrdreg $0x9  }
0xb2: {  	_ =	task.clear_ibuf [dreg:s7], $0x6FFFF;
	_ =	strace $0x90000049  }
0xb3: {  	s29 =	simm.s32 $0x9;
	_ =	strace $0x8000004B  }
0xb4: {  	_ =	swait.ge [sflag:s29], $0x1  }
0xb5: {  	[sflag:s29] =	ssyncadd.s32 $0xFFFFFFFF  }
0xb6: {  	_ =	strace $0x9000004B  }
0xb7: {  	_ =	sfence  }
0xb8: {  	s30 =	sld [smem:$0x0];
	_ =	sdelay $0x2  }
0xb9: {  	s31 =	sshll.u32 s1, $0xD;
	s1 =	sshrl.u32 s1, $0x2  }
0xba: {  	s3 =	sand.u32 $0x4000, s31;
	s1 =	sadd.s32 s1, s30  }
0xbb: {  	s0 =	sor.u32 s3, s0;
	s1 =	sshll.u32 s1, $0x11  }
0xbc: {  	s0 =	sor.u32 s1, s0  }
0xbd: {  	s0 =	sadd.s32 $0x8F2B, s0  }
0xbe: {  	[sflag:s0] =	ssyncadd.remote.s32 $0x1  }
0xbf: {  	_ =	sfence.sel $0xFFFF  }
0xc0: {  	[dreg:$0x0] =	wrdreg $0xFFFFFFFF;
	(pc) =	sbr.abs _section_cstart, $3  }
0xc1: {  	[dreg:$0x1] =	wrdreg $0xFFFFFFFF  }
0xc2: {  	_ =	task.clear_ibuf [dreg:s7], $0x2FFFF;
	_ =	strace $0x9FFFFFFF  }
0xc3: {  	(tm) =	ssettm $0x7FFFFFFF  }
tec
execute0_lowered:
.L_overlay_start_1:
0x0: {  	(tag) =	ssettag $0x1  }
0x1: {  	s0 =	rddreg [dreg:$0x0]  }
0x2: {  	s1 =	srdreg.scid;
	s5 =	rddreg [dreg:$0x1]  }
0x3: {  	s13 =	stileid.u32;
	s2 =	rddreg [dreg:$0x2]  }
0x4: {  	s3 =	simm.s32 $0x0;
	s14 =	simm.s32 $0x80;
	s15 =	simm.s32 $0x14400  }
0x5: {  	s16 =	simm.s32 $0x13C80;
	s28 =	simm.s32 $0x14200;
	s6 =	smul.u32 $0x2800, s13  }
0x6: {  	s29 =	simm.s32 $0x13F00;
	s30 =	simm.s32 $0x14280;
	s8 =	smul.u32 $0x13C00, s13  }
0x7: {  	s31 =	simm.s32 $0x13F80;
	s1 =	sand.u32 $0x1, s1;
	s10 =	smul.u32 $0x4F000, s13  }
0x8: {  	[smem:$0x7FF] =	sst s3;
	s11 =	sadd.s32 $0x33000, s5;
	s22 =	smul.u32 $0x2780, s13  }
0x9: {  	s25 =	sshll.u32 s13, $0x6;
	s13 =	simm.s32 $0x14000;
	s4 =	smul.u32 $0x28000, s1  }
0xa: {  	s17 =	smul.u32 $0x13C000, s1;
	_ =	strace $0x8000004A;
	s18 =	ssub.s32 $0x2, s1  }
0xb: {  	p0 =	seq.s32 s1, $0x1;
	s1 =	simm.s32 $0x14300;
	s12 =	sshrl.u32 s18, $0x1  }
0xc: {  	s20 =	sshrl.u32 s10, $0x2;
	s4 =	sadd.s32 s6, s4;
	s6 =	sadd.s32 s8, s17  }
0xd: {  	s19 =	ssub.s32 s18, s12;
	s21 =	sadd.s32 s20, s2;
	s8 =	sor.u32 $0x1C03, s25  }
0xe: {  	s12 =	simm.s32 $0x13C00;
	s17 =	simm.s32 $0x18400;
	s18 =	simm.s32 $0x1  }
0xf: {  	s20 =	simm.s32 $0x2;
	s25 =	simm.s32 $0x14180;
	s7 =	sshrl.u32 s4, $0x3  }
0x10: {  	s4 =	sadd.s32 $0xB800, s5;
	s6 =	sshrl.u32 s6, $0x3;
	s23 =	smax.u32 s19, $0x1  }
0x11: {  	s19 =	simm.s32 $0x13D00;
	[dreg:$0x8] =	wrdreg s8;
	s9 =	sadd.s32 s7, s5  }
0x12: {  	s5 =	sadd.s32 s6, s5;
	s10 =	smov.u32 s4;
	[dreg:$0x6] =	wrdreg s23  }
0x13: {  	s6 =	sshrl.u32 s21, $0x3;
	s21 =	simm.s32 $0x14080;
	s23 =	simm.s32 $0x14100  }
0x14: {  	s5 =	sadd.s32 $0x5A800, s5;
	s10 =	smov.u32 @p0 s11;
	s26 =	sadd.s32 $0x1800, s9  }
0x15: {  	s9 =	sadd.s32 s7, s0;
	s11 =	simm.s32 $0x3;
	[dreg:$0x9] =	wrdreg s6  }
0x16: {  	s0 =	simm.s32 $0x14380;
	s7 =	simm.s32 $0x0;
	[dreg:$0x5] =	wrdreg s5  }
0x17: {  	s24 =	sadd.s32 s10, s22;
	[dreg:$0x4] =	wrdreg s26;
	s22 =	simm.s32 $0x13D80  }
0x18: {  	s26 =	simm.s32 $0x13E80;
	[dreg:$0x7] =	wrdreg s24;
	s24 =	simm.s32 $0x13E00  }
.LBB2_1:
0x19: {  	[dreg:$0xa] =	wrdreg s7  }
0x1a: {  	s5 =	rddreg [dreg:$0x7]  }
0x1b: {  	[spmem:s6], [sflag:s8] =	dma.local [hbm:s5], $0x2780  }
0x1c: {  	_ =	swait.ge [sflag:s11], $0x2780  }
0x1d: {  	[sflag:s11] =	ssyncset.done $0x0  }
0x1e: {  	[sflag:s11] =	ssyncadd.s32 $0xFFFFD880  }
0x1f: {  	s8 =	sadd.s32 $0x0, s9;
	[bflag:$0x0] =	sbarrier.arrive $0xFFFF  }
0x20: {  	[tilespmem:s12], [sflag:$0x3] =	stream.linear.gather [hbm4b:s8+s3], $0x400, $0x38;
	[tilespmem:$0x1C400] =	vst v63  }
0x21: {  	_ =	swait.ge [sflag:s11], $0x400  }
0x22: {  	s10 =	rddreg [dreg:$0x4];
	[sflag:s11] =	ssyncset.done $0x0  }
0x23: {  	[sflag:s11] =	ssyncadd.s32 $0xFFFFFC00;
	s6 =	sadd.s32 $0x0, s10  }
0x24: {  	[tilespmem:s13], [sflag:$0x3] =	stream.linear.gather [hbm4b:s6+s3], $0x400, $0x38;
	[tilespmem:$0x1C400] =	vst v63  }
0x25: {  	_ =	swait.ge [sflag:s11], $0x400  }
0x26: {  	[sflag:s11] =	ssyncset.done $0x0  }
0x27: {  	[sflag:s11] =	ssyncadd.s32 $0xFFFFFC00  }
0x28: {  	[tilespmem:s15], [sflag:$0x1] =	stream.indirect.gather [hbm4b:s4+s14], $0x80, s12, s14, $0xb8;
	[tilespmem:$0x1C400] =	vst v63  }
0x29: {  	_ = 	snop  }
0x2a: {  	[tilespmem:s17], [sflag:$0x2] =	stream.indirect.gather [hbm4b:s4+s14], $0x80, s16, s14, $0xb8;
	[tilespmem:$0x1C400] =	vst v63  }
0x2b: {  	_ =	swait.ge [sflag:s18], $0x4000  }
0x2c: {  	[sflag:s18] =	ssyncset.done $0x0  }
0x2d: {  	[sflag:s18] =	ssyncadd.s32 $0xFFFFC000  }
0x2e: {  	[spmem:s2] =	stream.indirect.scatter.add.f32 [tilespmem:s15], [sflag:$0x3], $0x80, s13, s14, $0xb8;
	[tilespmem:$0x1C400] =	vst v63  }
0x2f: {  	_ =	swait.ge [sflag:s11], $0x4000  }
0x30: {  	[sflag:s11] =	ssyncset.done $0x0  }
0x31: {  	[sflag:s11] =	ssyncadd.s32 $0xFFFFC000  }
0x32: {  	[tilespmem:s15], [sflag:$0x1] =	stream.indirect.gather [hbm4b:s4+s14], $0x80, s19, s14, $0xb8;
	[tilespmem:$0x1C400] =	vst v63  }
0x33: {  	_ =	swait.ge [sflag:s20], $0x4000  }
0x34: {  	[sflag:s20] =	ssyncset.done $0x0  }
0x35: {  	[sflag:s20] =	ssyncadd.s32 $0xFFFFC000  }
0x36: {  	[spmem:s2] =	stream.indirect.scatter.add.f32 [tilespmem:s17], [sflag:$0x3], $0x80, s21, s14, $0xb8;
	[tilespmem:$0x1C400] =	vst v63  }
0x37: {  	_ =	swait.ge [sflag:s11], $0x4000  }
0x38: {  	[sflag:s11] =	ssyncset.done $0x0  }
0x39: {  	[sflag:s11] =	ssyncadd.s32 $0xFFFFC000  }
0x3a: {  	[tilespmem:s17], [sflag:$0x2] =	stream.indirect.gather [hbm4b:s4+s14], $0x80, s22, s14, $0xb8;
	[tilespmem:$0x1C400] =	vst v63  }
0x3b: {  	_ =	swait.ge [sflag:s18], $0x4000  }
0x3c: {  	[sflag:s18] =	ssyncset.done $0x0  }
0x3d: {  	[sflag:s18] =	ssyncadd.s32 $0xFFFFC000  }
0x3e: {  	[spmem:s2] =	stream.indirect.scatter.add.f32 [tilespmem:s15], [sflag:$0x3], $0x80, s23, s14, $0xb8;
	[tilespmem:$0x1C400] =	vst v63  }
0x3f: {  	_ =	swait.ge [sflag:s11], $0x4000  }
0x40: {  	[sflag:s11] =	ssyncset.done $0x0  }
0x41: {  	[sflag:s11] =	ssyncadd.s32 $0xFFFFC000  }
0x42: {  	[tilespmem:s15], [sflag:$0x1] =	stream.indirect.gather [hbm4b:s4+s14], $0x80, s24, s14, $0xb8;
	[tilespmem:$0x1C400] =	vst v63  }
0x43: {  	_ =	swait.ge [sflag:s20], $0x4000  }
0x44: {  	[sflag:s20] =	ssyncset.done $0x0  }
0x45: {  	[sflag:s20] =	ssyncadd.s32 $0xFFFFC000  }
0x46: {  	[spmem:s2] =	stream.indirect.scatter.add.f32 [tilespmem:s17], [sflag:$0x3], $0x80, s25, s14, $0xb8;
	[tilespmem:$0x1C400] =	vst v63  }
0x47: {  	_ =	swait.ge [sflag:s11], $0x4000  }
0x48: {  	[sflag:s11] =	ssyncset.done $0x0  }
0x49: {  	[sflag:s11] =	ssyncadd.s32 $0xFFFFC000  }
0x4a: {  	[tilespmem:s17], [sflag:$0x2] =	stream.indirect.gather [hbm4b:s4+s14], $0x80, s26, s14, $0xb8;
	[tilespmem:$0x1C400] =	vst v63  }
0x4b: {  	_ =	swait.ge [sflag:s18], $0x4000  }
0x4c: {  	[sflag:s18] =	ssyncset.done $0x0  }
0x4d: {  	[sflag:s18] =	ssyncadd.s32 $0xFFFFC000  }
0x4e: {  	[spmem:s2] =	stream.indirect.scatter.add.f32 [tilespmem:s15], [sflag:$0x3], $0x80, s28, s14, $0xb8;
	[tilespmem:$0x1C400] =	vst v63  }
0x4f: {  	_ =	swait.ge [sflag:s11], $0x4000  }
0x50: {  	[sflag:s11] =	ssyncset.done $0x0  }
0x51: {  	[sflag:s11] =	ssyncadd.s32 $0xFFFFC000  }
0x52: {  	[tilespmem:s15], [sflag:$0x1] =	stream.indirect.gather [hbm4b:s4+s14], $0x80, s29, s14, $0xb8;
	[tilespmem:$0x1C400] =	vst v63  }
0x53: {  	_ =	swait.ge [sflag:s20], $0x4000  }
0x54: {  	[sflag:s20] =	ssyncset.done $0x0  }
0x55: {  	[sflag:s20] =	ssyncadd.s32 $0xFFFFC000  }
0x56: {  	[spmem:s2] =	stream.indirect.scatter.add.f32 [tilespmem:s17], [sflag:$0x3], $0x80, s30, s14, $0xb8;
	[tilespmem:$0x1C400] =	vst v63  }
0x57: {  	_ =	swait.ge [sflag:s11], $0x4000  }
0x58: {  	[sflag:s11] =	ssyncset.done $0x0  }
0x59: {  	[sflag:s11] =	ssyncadd.s32 $0xFFFFC000  }
0x5a: {  	[tilespmem:s17], [sflag:$0x2] =	stream.indirect.gather [hbm4b:s4+s14], $0x80, s31, s14, $0xb8;
	[tilespmem:$0x1C400] =	vst v63  }
0x5b: {  	_ =	swait.ge [sflag:s18], $0x4000  }
0x5c: {  	[sflag:s18] =	ssyncset.done $0x0  }
0x5d: {  	[sflag:s18] =	ssyncadd.s32 $0xFFFFC000  }
0x5e: {  	[spmem:s2] =	stream.indirect.scatter.add.f32 [tilespmem:s15], [sflag:$0x3], $0x80, s1, s14, $0xb8;
	[tilespmem:$0x1C400] =	vst v63  }
0x5f: {  	_ =	swait.ge [sflag:s11], $0x4000  }
0x60: {  	[sflag:s11] =	ssyncset.done $0x0  }
0x61: {  	[sflag:s11] =	ssyncadd.s32 $0xFFFFC000  }
0x62: {  	_ =	swait.ge [sflag:s20], $0x4000  }
0x63: {  	[sflag:s20] =	ssyncset.done $0x0  }
0x64: {  	[sflag:s20] =	ssyncadd.s32 $0xFFFFC000  }
0x65: {  	[spmem:s2] =	stream.indirect.scatter.add.f32 [tilespmem:s17], [sflag:$0x3], $0x80, s0, s14, $0xb8;
	[tilespmem:$0x1C400] =	vst v63  }
0x66: {  	_ =	swait.ge [sflag:s11], $0x4000  }
0x67: {  	s7 =	simm.s32 $0x100;
	s6 =	simm.s32 $0x80;
	[sflag:s11] =	ssyncset.done $0x0  }
.LBB2_2:
0x68: {  	s10 =	sadd.s32 s6, s9;
	[sflag:s11] =	ssyncadd.s32 $0xFFFFC000  }
0x69: {  	[tilespmem:s12], [sflag:$0x3] =	stream.linear.gather [hbm4b:s10+s3], $0x400, $0x38;
	[tilespmem:$0x1C400] =	vst v63  }
0x6a: {  	s5 =	smov.u32 s7;
	_ =	swait.ge [sflag:s11], $0x400  }
0x6b: {  	s8 =	sadd.s32 $0x80, s7;
	s10 =	rddreg [dreg:$0x4];
	[sflag:s11] =	ssyncset.done $0x0  }
0x6c: {  	p0 =	sne.s32 s7, $0x480;
	[sflag:s11] =	ssyncadd.s32 $0xFFFFFC00;
	s7 =	sadd.s32 s6, s10  }
0x6d: {  	[tilespmem:s13], [sflag:$0x3] =	stream.linear.gather [hbm4b:s7+s3], $0x400, $0x38;
	[tilespmem:$0x1C400] =	vst v63  }
0x6e: {  	_ =	swait.ge [sflag:s11], $0x400  }
0x6f: {  	[sflag:s11] =	ssyncset.done $0x0  }
0x70: {  	[sflag:s11] =	ssyncadd.s32 $0xFFFFFC00  }
0x71: {  	[tilespmem:s15], [sflag:$0x1] =	stream.indirect.gather [hbm4b:s4+s14], $0x80, s12, s14, $0xb8;
	[tilespmem:$0x1C400] =	vst v63  }
0x72: {  	_ = 	snop  }
0x73: {  	[tilespmem:s17], [sflag:$0x2] =	stream.indirect.gather [hbm4b:s4+s14], $0x80, s16, s14, $0xb8;
	[tilespmem:$0x1C400] =	vst v63  }
0x74: {  	_ =	swait.ge [sflag:s18], $0x4000  }
0x75: {  	[sflag:s18] =	ssyncset.done $0x0  }
0x76: {  	[sflag:s18] =	ssyncadd.s32 $0xFFFFC000  }
0x77: {  	[spmem:s2] =	stream.indirect.scatter.add.f32 [tilespmem:s15], [sflag:$0x3], $0x80, s13, s14, $0xb8;
	[tilespmem:$0x1C400] =	vst v63  }
0x78: {  	_ =	swait.ge [sflag:s11], $0x4000  }
0x79: {  	[sflag:s11] =	ssyncset.done $0x0  }
0x7a: {  	[sflag:s11] =	ssyncadd.s32 $0xFFFFC000  }
0x7b: {  	[tilespmem:s15], [sflag:$0x1] =	stream.indirect.gather [hbm4b:s4+s14], $0x80, s19, s14, $0xb8;
	[tilespmem:$0x1C400] =	vst v63  }
0x7c: {  	_ =	swait.ge [sflag:s20], $0x4000  }
0x7d: {  	[sflag:s20] =	ssyncset.done $0x0  }
0x7e: {  	[sflag:s20] =	ssyncadd.s32 $0xFFFFC000  }
0x7f: {  	[spmem:s2] =	stream.indirect.scatter.add.f32 [tilespmem:s17], [sflag:$0x3], $0x80, s21, s14, $0xb8;
	[tilespmem:$0x1C400] =	vst v63  }
0x80: {  	_ =	swait.ge [sflag:s11], $0x4000  }
0x81: {  	[sflag:s11] =	ssyncset.done $0x0  }
0x82: {  	[sflag:s11] =	ssyncadd.s32 $0xFFFFC000  }
0x83: {  	[tilespmem:s17], [sflag:$0x2] =	stream.indirect.gather [hbm4b:s4+s14], $0x80, s22, s14, $0xb8;
	[tilespmem:$0x1C400] =	vst v63  }
0x84: {  	_ =	swait.ge [sflag:s18], $0x4000  }
0x85: {  	[sflag:s18] =	ssyncset.done $0x0  }
0x86: {  	[sflag:s18] =	ssyncadd.s32 $0xFFFFC000  }
0x87: {  	[spmem:s2] =	stream.indirect.scatter.add.f32 [tilespmem:s15], [sflag:$0x3], $0x80, s23, s14, $0xb8;
	[tilespmem:$0x1C400] =	vst v63  }
0x88: {  	_ =	swait.ge [sflag:s11], $0x4000  }
0x89: {  	[sflag:s11] =	ssyncset.done $0x0  }
0x8a: {  	[sflag:s11] =	ssyncadd.s32 $0xFFFFC000  }
0x8b: {  	[tilespmem:s15], [sflag:$0x1] =	stream.indirect.gather [hbm4b:s4+s14], $0x80, s24, s14, $0xb8;
	[tilespmem:$0x1C400] =	vst v63  }
0x8c: {  	_ =	swait.ge [sflag:s20], $0x4000  }
0x8d: {  	[sflag:s20] =	ssyncset.done $0x0  }
0x8e: {  	[sflag:s20] =	ssyncadd.s32 $0xFFFFC000  }
0x8f: {  	[spmem:s2] =	stream.indirect.scatter.add.f32 [tilespmem:s17], [sflag:$0x3], $0x80, s25, s14, $0xb8;
	[tilespmem:$0x1C400] =	vst v63  }
0x90: {  	_ =	swait.ge [sflag:s11], $0x4000  }
0x91: {  	[sflag:s11] =	ssyncset.done $0x0  }
0x92: {  	[sflag:s11] =	ssyncadd.s32 $0xFFFFC000  }
0x93: {  	[tilespmem:s17], [sflag:$0x2] =	stream.indirect.gather [hbm4b:s4+s14], $0x80, s26, s14, $0xb8;
	[tilespmem:$0x1C400] =	vst v63  }
0x94: {  	_ =	swait.ge [sflag:s18], $0x4000  }
0x95: {  	[sflag:s18] =	ssyncset.done $0x0  }
0x96: {  	[sflag:s18] =	ssyncadd.s32 $0xFFFFC000  }
0x97: {  	[spmem:s2] =	stream.indirect.scatter.add.f32 [tilespmem:s15], [sflag:$0x3], $0x80, s28, s14, $0xb8;
	[tilespmem:$0x1C400] =	vst v63  }
0x98: {  	_ =	swait.ge [sflag:s11], $0x4000  }
0x99: {  	[sflag:s11] =	ssyncset.done $0x0  }
0x9a: {  	[sflag:s11] =	ssyncadd.s32 $0xFFFFC000  }
0x9b: {  	[tilespmem:s15], [sflag:$0x1] =	stream.indirect.gather [hbm4b:s4+s14], $0x80, s29, s14, $0xb8;
	[tilespmem:$0x1C400] =	vst v63  }
0x9c: {  	_ =	swait.ge [sflag:s20], $0x4000  }
0x9d: {  	[sflag:s20] =	ssyncset.done $0x0  }
0x9e: {  	[sflag:s20] =	ssyncadd.s32 $0xFFFFC000  }
0x9f: {  	[spmem:s2] =	stream.indirect.scatter.add.f32 [tilespmem:s17], [sflag:$0x3], $0x80, s30, s14, $0xb8;
	[tilespmem:$0x1C400] =	vst v63  }
0xa0: {  	_ =	swait.ge [sflag:s11], $0x4000  }
0xa1: {  	[sflag:s11] =	ssyncset.done $0x0  }
0xa2: {  	[sflag:s11] =	ssyncadd.s32 $0xFFFFC000  }
0xa3: {  	[tilespmem:s17], [sflag:$0x2] =	stream.indirect.gather [hbm4b:s4+s14], $0x80, s31, s14, $0xb8;
	[tilespmem:$0x1C400] =	vst v63  }
0xa4: {  	_ =	swait.ge [sflag:s18], $0x4000  }
0xa5: {  	[sflag:s18] =	ssyncset.done $0x0  }
0xa6: {  	[sflag:s18] =	ssyncadd.s32 $0xFFFFC000  }
0xa7: {  	[spmem:s2] =	stream.indirect.scatter.add.f32 [tilespmem:s15], [sflag:$0x3], $0x80, s1, s14, $0xb8;
	[tilespmem:$0x1C400] =	vst v63  }
0xa8: {  	_ =	swait.ge [sflag:s11], $0x4000  }
0xa9: {  	[sflag:s11] =	ssyncset.done $0x0  }
0xaa: {  	[sflag:s11] =	ssyncadd.s32 $0xFFFFC000  }
0xab: {  	_ =	swait.ge [sflag:s20], $0x4000  }
.Ltmp0:
0xac: {  	[sflag:s20] =	ssyncset.done $0x0;
	(pc) =	sbr.rel @p0 .LBB2_2-.Ltmp0, $4  }
0xad: {  	[sflag:s20] =	ssyncadd.s32 $0xFFFFC000  }
0xae: {  	[spmem:s2] =	stream.indirect.scatter.add.f32 [tilespmem:s17], [sflag:$0x3], $0x80, s0, s14, $0xb8;
	[tilespmem:$0x1C400] =	vst v63  }
0xaf: {  	_ =	swait.ge [sflag:s11], $0x4000  }
0xb0: {  	s6 =	smov.u32 s5;
	s7 =	smov.u32 s8;
	[sflag:s11] =	ssyncset.done $0x0  }
0xb1: {  	s5 =	sadd.s32 s6, s9;
	[sflag:s11] =	ssyncadd.s32 $0xFFFFC000  }
0xb2: {  	[tilespmem:s12], [sflag:$0x3] =	stream.linear.gather [hbm4b:s5+s3], $0x400, $0x38;
	[tilespmem:$0x1C400] =	vst v63  }
0xb3: {  	_ =	swait.ge [sflag:s11], $0x400  }
0xb4: {  	s10 =	rddreg [dreg:$0x4];
	[sflag:s11] =	ssyncset.done $0x0  }
0xb5: {  	s5 =	sadd.s32 s6, s10;
	[sflag:s11] =	ssyncadd.s32 $0xFFFFFC00  }
0xb6: {  	[tilespmem:s13], [sflag:$0x3] =	stream.linear.gather [hbm4b:s5+s3], $0x400, $0x38;
	[tilespmem:$0x1C400] =	vst v63  }
0xb7: {  	_ =	swait.ge [sflag:s11], $0x400  }
0xb8: {  	[sflag:s11] =	ssyncset.done $0x0  }
0xb9: {  	[sflag:s11] =	ssyncadd.s32 $0xFFFFFC00  }
0xba: {  	[tilespmem:s15], [sflag:$0x1] =	stream.indirect.gather [hbm4b:s4+s14], $0x80, s12, s14, $0xb8;
	[tilespmem:$0x1C400] =	vst v63  }
0xbb: {  	_ = 	snop  }
0xbc: {  	[tilespmem:s17], [sflag:$0x2] =	stream.indirect.gather [hbm4b:s4+s14], $0x80, s16, s14, $0xb8;
	[tilespmem:$0x1C400] =	vst v63  }
0xbd: {  	_ =	swait.ge [sflag:s18], $0x4000  }
0xbe: {  	[sflag:s18] =	ssyncset.done $0x0  }
0xbf: {  	[sflag:s18] =	ssyncadd.s32 $0xFFFFC000  }
0xc0: {  	[spmem:s2] =	stream.indirect.scatter.add.f32 [tilespmem:s15], [sflag:$0x3], $0x80, s13, s14, $0xb8;
	[tilespmem:$0x1C400] =	vst v63  }
0xc1: {  	_ =	swait.ge [sflag:s11], $0x4000  }
0xc2: {  	[sflag:s11] =	ssyncset.done $0x0  }
0xc3: {  	[sflag:s11] =	ssyncadd.s32 $0xFFFFC000  }
0xc4: {  	[tilespmem:s15], [sflag:$0x1] =	stream.indirect.gather [hbm4b:s4+s14], $0x80, s19, s14, $0xb8;
	[tilespmem:$0x1C400] =	vst v63  }
0xc5: {  	_ =	swait.ge [sflag:s20], $0x4000  }
0xc6: {  	[sflag:s20] =	ssyncset.done $0x0  }
0xc7: {  	[sflag:s20] =	ssyncadd.s32 $0xFFFFC000  }
0xc8: {  	[spmem:s2] =	stream.indirect.scatter.add.f32 [tilespmem:s17], [sflag:$0x3], $0x80, s21, s14, $0xb8;
	[tilespmem:$0x1C400] =	vst v63  }
0xc9: {  	_ =	swait.ge [sflag:s11], $0x4000  }
0xca: {  	[sflag:s11] =	ssyncset.done $0x0  }
0xcb: {  	[sflag:s11] =	ssyncadd.s32 $0xFFFFC000  }
0xcc: {  	[tilespmem:s17], [sflag:$0x2] =	stream.indirect.gather [hbm4b:s4+s14], $0x80, s22, s14, $0xb8;
	[tilespmem:$0x1C400] =	vst v63  }
0xcd: {  	_ =	swait.ge [sflag:s18], $0x4000  }
0xce: {  	[sflag:s18] =	ssyncset.done $0x0  }
0xcf: {  	[sflag:s18] =	ssyncadd.s32 $0xFFFFC000  }
0xd0: {  	[spmem:s2] =	stream.indirect.scatter.add.f32 [tilespmem:s15], [sflag:$0x3], $0x80, s23, s14, $0xb8;
	[tilespmem:$0x1C400] =	vst v63  }
0xd1: {  	_ =	swait.ge [sflag:s11], $0x4000  }
0xd2: {  	[sflag:s11] =	ssyncset.done $0x0  }
0xd3: {  	[sflag:s11] =	ssyncadd.s32 $0xFFFFC000  }
0xd4: {  	[tilespmem:s15], [sflag:$0x1] =	stream.indirect.gather [hbm4b:s4+s14], $0x80, s24, s14, $0xb8;
	[tilespmem:$0x1C400] =	vst v63  }
0xd5: {  	_ =	swait.ge [sflag:s20], $0x4000  }
0xd6: {  	[sflag:s20] =	ssyncset.done $0x0  }
0xd7: {  	[sflag:s20] =	ssyncadd.s32 $0xFFFFC000  }
0xd8: {  	[spmem:s2] =	stream.indirect.scatter.add.f32 [tilespmem:s17], [sflag:$0x3], $0x80, s25, s14, $0xb8;
	[tilespmem:$0x1C400] =	vst v63  }
0xd9: {  	_ =	swait.ge [sflag:s11], $0x4000  }
0xda: {  	[sflag:s11] =	ssyncset.done $0x0  }
0xdb: {  	[sflag:s11] =	ssyncadd.s32 $0xFFFFC000  }
0xdc: {  	[tilespmem:s17], [sflag:$0x2] =	stream.indirect.gather [hbm4b:s4+s14], $0x80, s26, s14, $0xb8;
	[tilespmem:$0x1C400] =	vst v63  }
0xdd: {  	_ =	swait.ge [sflag:s18], $0x4000  }
0xde: {  	[sflag:s18] =	ssyncset.done $0x0  }
0xdf: {  	[sflag:s18] =	ssyncadd.s32 $0xFFFFC000  }
0xe0: {  	[spmem:s2] =	stream.indirect.scatter.add.f32 [tilespmem:s15], [sflag:$0x3], $0x80, s28, s14, $0xb8;
	[tilespmem:$0x1C400] =	vst v63  }
0xe1: {  	_ =	swait.ge [sflag:s11], $0x4000  }
0xe2: {  	[sflag:s11] =	ssyncset.done $0x0  }
0xe3: {  	[sflag:s11] =	ssyncadd.s32 $0xFFFFC000  }
0xe4: {  	[tilespmem:s15], [sflag:$0x1] =	stream.indirect.gather [hbm4b:s4+s14], $0x80, s29, s14, $0xb8;
	[tilespmem:$0x1C400] =	vst v63  }
0xe5: {  	_ =	swait.ge [sflag:s20], $0x4000  }
0xe6: {  	[sflag:s20] =	ssyncset.done $0x0  }
0xe7: {  	[sflag:s20] =	ssyncadd.s32 $0xFFFFC000  }
0xe8: {  	[spmem:s2] =	stream.indirect.scatter.add.f32 [tilespmem:s17], [sflag:$0x3], $0x80, s30, s14, $0xb8;
	[tilespmem:$0x1C400] =	vst v63  }
0xe9: {  	_ =	swait.ge [sflag:s11], $0x4000  }
0xea: {  	[sflag:s11] =	ssyncset.done $0x0  }
0xeb: {  	[sflag:s11] =	ssyncadd.s32 $0xFFFFC000  }
0xec: {  	[tilespmem:s17], [sflag:$0x2] =	stream.indirect.gather [hbm4b:s4+s14], $0x80, s31, s14, $0xb8;
	[tilespmem:$0x1C400] =	vst v63  }
0xed: {  	_ =	swait.ge [sflag:s18], $0x4000  }
0xee: {  	[sflag:s18] =	ssyncset.done $0x0  }
0xef: {  	[sflag:s18] =	ssyncadd.s32 $0xFFFFC000  }
0xf0: {  	[spmem:s2] =	stream.indirect.scatter.add.f32 [tilespmem:s15], [sflag:$0x3], $0x80, s1, s14, $0xb8;
	[tilespmem:$0x1C400] =	vst v63  }
0xf1: {  	_ =	swait.ge [sflag:s11], $0x4000  }
0xf2: {  	[sflag:s11] =	ssyncset.done $0x0  }
0xf3: {  	[sflag:s11] =	ssyncadd.s32 $0xFFFFC000  }
0xf4: {  	_ =	swait.ge [sflag:s20], $0x4000  }
0xf5: {  	[sflag:s20] =	ssyncset.done $0x0  }
0xf6: {  	[sflag:s20] =	ssyncadd.s32 $0xFFFFC000  }
0xf7: {  	[spmem:s2] =	stream.indirect.scatter.add.f32 [tilespmem:s17], [sflag:$0x3], $0x80, s0, s14, $0xb8;
	[tilespmem:$0x1C400] =	vst v63  }
0xf8: {  	_ =	swait.ge [sflag:s11], $0x4000  }
0xf9: {  	[sflag:s11] =	ssyncset.done $0x0  }
0xfa: {  	[sflag:s11] =	ssyncadd.s32 $0xFFFFC000  }
0xfb: {  	[bflag:$0x0] =	sbarrier.arrive $0xFFFF  }
0xfc: {  	s7 =	rddreg [dreg:$0x5]  }
0xfd: {  	s8 =	rddreg [dreg:$0x8]  }
0xfe: {  	s6 =	rddreg [dreg:$0x9]  }
0xff: {  	[hbm:s7], [sflag:s8] =	dma.local [spmem:s6], $0x2780  }
0x100: {  	_ =	swait.ge [sflag:s11], $0x2780  }
0x101: {  	s7 =	rddreg [dreg:$0xa]  }
0x102: {  	s10 =	rddreg [dreg:$0x6];
	s7 =	sadd.s32 $0x1, s7  }
0x103: {  	p0 =	sne.s32 s7, s10  }
.Ltmp1:
0x104: {  	_ = 	snop;
	(pc) =	sbr.rel @p0 .LBB2_1-.Ltmp1, $3  }
0x105: {  	_ =	sdelay $0x1  }
0x106: {  	[sflag:s11] =	ssyncset.done $0x0  }
0x107: {  	[sflag:s11] =	ssyncadd.s32 $0xFFFFD880  }
0x108: {  	_ =	sfence.sel $0x180000  }
0x109: {  	[bflag:$0x0] =	sbarrier.arrive $0xFFFF  }
0x10a: {  	_ =	strace $0x9000004A  }
0x10b: {  	s0 =	stileid.u32;
	[bflag:$0x2] =	sbarrier.arrive $0xFFFF  }
0x10c: {  	p0 =	sne.s32 s0, $0x0;
	s0 =	rddreg [dreg:$0x3]  }
0x10d: {  	s0 =	sadd.s32 @!p0 $0x100000, s0  }
0x10e: {  	[sflag:s0] =	ssyncadd.tile.s32 @!p0 $0x1;
	_ =	shalt  }
.Lfunc_end2:
_tile_overlayer_lowered:
.L_overlay_start_2:
0x10f: {  	(tag) =	ssettag $0x2  }
0x110: {  	s0 =	rddreg [dreg:$0x0];
	s2 =	stileid.u32  }
0x111: {  	s1 =	rddreg [dreg:$0x1];
	p0 =	sne.s32 s2, $0x0  }
0x112: {  	s3 =	rddreg [dreg:$0x2];
	[bflag:$0x3] =	sbarrier.arrive $0xFFFF;
	s2 =	simm.s32 @!p0 $0x1C03  }
0x113: {  	[timem:s3], [sflag:s2] =	dma.local @!p0 [hbm:s0], s1  }
0x114: {  	s0 =	simm.s32 @!p0 $0x3  }
0x115: {  	_ =	swait.ge @!p0 [sflag:s0], s1  }
0x116: {  	s1 =	ssub.s32 @!p0 $0x0, s1;
	[sflag:s0] =	ssyncset.done @!p0 $0x0  }
0x117: {  	[sflag:s0] =	ssyncadd.s32 @!p0 s1  }
0x118: {  	[bflag:$0x3] =	sbarrier.arrive $0xFFFF  }
0x119: {  	_ =	shalt  }

</sc_bundles>
